<compile_context>
chip_gen: v7x
topology: tpu7x:2x2x1
jax: 0.10.2.dev20260603
libtpu: 0.0.44.dev20260713+nightly
codegen_flags: <defaults>
</compile_context>

<pallas_src>
import functools

import jax
import jax.numpy as jnp
from jax import lax
from jax.experimental import pallas as pl
from jax.experimental.pallas import tpu as pltpu
from jax.experimental.pallas import tpu_sc as plsc

B = 2048
NC = 16
D = 1024
H = 4096
TM = 128
NWORK = 32
CHUNK = B // NWORK


def _routing_body(cid_ref, dest_ref, offs_ref, oh_ref, run_ref):
    r = pl.program_id(0)

    @pl.when(r == 0)
    def _init():
        cid = cid_ref[:, :]
        cls = lax.broadcasted_iota(jnp.int32, (B, 128), 1)
        oh = (cid == cls).astype(jnp.float32)
        oh_ref[:, :] = oh
        counts = jnp.sum(oh, axis=0, keepdims=True)
        ii = lax.broadcasted_iota(jnp.int32, (128, 128), 0)
        jj = lax.broadcasted_iota(jnp.int32, (128, 128), 1)
        strict_lower = (ii < jj).astype(jnp.float32)
        offs = jnp.dot(counts, strict_lower,
                       preferred_element_type=jnp.float32)
        offs_ref[:, :] = offs.astype(jnp.int32)
        run_ref[:, :] = jnp.zeros((1, 128), jnp.float32)

    row0 = r * TM
    oh_b = oh_ref[pl.ds(row0, TM), :]
    li = lax.broadcasted_iota(jnp.int32, (TM, TM), 0)
    lj = lax.broadcasted_iota(jnp.int32, (TM, TM), 1)
    ltri = (lj <= li).astype(jnp.float32)
    prefix = (jnp.dot(ltri, oh_b, preferred_element_type=jnp.float32)
              + run_ref[:, :])
    run_ref[:, :] = prefix[TM - 1:TM, :]
    offs_f = offs_ref[:, :].astype(jnp.float32)
    dest_b = jnp.sum(oh_b * (offs_f + prefix - 1.0),
                     axis=1, keepdims=True)
    dest_ref[pl.ds(row0, TM), :] = dest_b.astype(jnp.int32)


def _routing(cid):
    return pl.pallas_call(
        _routing_body,
        grid=(16,),
        in_specs=[pl.BlockSpec((B, 1), lambda r: (0, 0))],
        out_specs=[
            pl.BlockSpec((B, 1), lambda r: (0, 0)),
            pl.BlockSpec((1, 128), lambda r: (0, 0)),
        ],
        out_shape=[
            jax.ShapeDtypeStruct((B, 1), jnp.int32),
            jax.ShapeDtypeStruct((1, 128), jnp.int32),
        ],
        scratch_shapes=[
            pltpu.VMEM((B, 128), jnp.float32),
            pltpu.VMEM((1, 128), jnp.float32),
        ],
    )(cid)


def _make_sc_gather():
    mesh = plsc.VectorSubcoreMesh(core_axis_name="c", subcore_axis_name="s")

    @functools.partial(
        pl.kernel,
        mesh=mesh,
        out_type=jax.ShapeDtypeStruct((B, D), jnp.float32),
        scratch_types=[
            pltpu.VMEM((CHUNK,), jnp.int32),
            pltpu.VMEM((CHUNK, D), jnp.float32),
            pltpu.SemaphoreType.DMA,
            pltpu.SemaphoreType.DMA,
            pltpu.SemaphoreType.DMA,
        ],
    )
    def gather_k(table_hbm, idx_hbm, out_hbm, idx_v, rows_v, sem, sem2,
                 wsem):
        wid = lax.axis_index("s") * 2 + lax.axis_index("c")
        base = wid * CHUNK
        half = CHUNK // 2
        pltpu.sync_copy(idx_hbm.at[pl.ds(base, CHUNK)], idx_v)
        g0 = pltpu.async_copy(
            table_hbm.at[idx_v.at[pl.ds(0, half)]],
            rows_v.at[pl.ds(0, half)], sem)
        g1 = pltpu.async_copy(
            table_hbm.at[idx_v.at[pl.ds(half, half)]],
            rows_v.at[pl.ds(half, half)], sem2)
        g0.wait()
        w0 = pltpu.async_copy(
            rows_v.at[pl.ds(0, half)],
            out_hbm.at[pl.ds(base, half)], wsem)
        g1.wait()
        w1 = pltpu.async_copy(
            rows_v.at[pl.ds(half, half)],
            out_hbm.at[pl.ds(base + half, half)], wsem)
        w0.wait()
        w1.wait()

    return gather_k


def _make_sc_scatter_f32():
    mesh = plsc.VectorSubcoreMesh(core_axis_name="c", subcore_axis_name="s")

    @functools.partial(
        pl.kernel,
        mesh=mesh,
        out_type=jax.ShapeDtypeStruct((B, D), jnp.float32),
        scratch_types=[
            pltpu.VMEM((CHUNK // 2,), jnp.int32),
            pltpu.VMEM((CHUNK // 2,), jnp.int32),
            pltpu.VMEM((CHUNK, D), jnp.float32),
            pltpu.SemaphoreType.DMA,
            pltpu.SemaphoreType.DMA,
            pltpu.SemaphoreType.DMA,
            pltpu.SemaphoreType.DMA,
        ],
    )
    def scatter_k(table_hbm, idx_hbm, out_hbm, idx_v0, idx_v1, rows_v,
                  sem, sem2, wsem, wsem2):
        wid = lax.axis_index("s") * 2 + lax.axis_index("c")
        base = wid * CHUNK
        half = CHUNK // 2
        pltpu.sync_copy(idx_hbm.at[pl.ds(base, half)], idx_v0)
        pltpu.sync_copy(idx_hbm.at[pl.ds(base + half, half)], idx_v1)
        l0 = pltpu.async_copy(
            table_hbm.at[pl.ds(base, half)],
            rows_v.at[pl.ds(0, half)], sem)
        l1 = pltpu.async_copy(
            table_hbm.at[pl.ds(base + half, half)],
            rows_v.at[pl.ds(half, half)], sem2)
        l0.wait()
        s0 = pltpu.async_copy(
            rows_v.at[pl.ds(0, half)], out_hbm.at[idx_v0], wsem)
        l1.wait()
        s1 = pltpu.async_copy(
            rows_v.at[pl.ds(half, half)], out_hbm.at[idx_v1], wsem2)
        s0.wait()
        s1.wait()

    return scatter_k


HC = H // 2
KH = H // HC


def _aligned_base(start, t):
    base = jnp.minimum(start + t * TM, B - TM)
    return pl.multiple_of((base // 8) * 8, 8)


def _mlp_body(offs_ref, zs_ref, w1_ref, b1_ref, w2_ref, b2_ref, ys_ref):
    i = pl.program_id(0)
    k = pl.program_id(1)
    start = offs_ref[i]
    end = offs_ref[i + 1]
    cnt = end - start
    nt = lax.div(cnt + 7 + TM - 1, TM)
    w1 = w1_ref[0].astype(jnp.bfloat16)
    b1 = b1_ref[0]
    w2 = w2_ref[0].astype(jnp.bfloat16)
    b2 = b2_ref[0]

    def tile(t, carry):
        base = _aligned_base(start, t)
        prev_end = _aligned_base(start, t - 1) + TM

        @pl.when((t == 0) | (base + TM > prev_end))
        def _():
            zt = zs_ref[pl.ds(base, TM), :]
            h = jnp.maximum(
                jnp.dot(zt, w1, preferred_element_type=jnp.float32) + b1,
                0.0)
            part = jnp.dot(h.astype(jnp.bfloat16), w2,
                           preferred_element_type=jnp.float32)
            rid = base + lax.broadcasted_iota(jnp.int32, (TM, 1), 0)
            m = (rid >= start) & (rid < end) & ((t == 0) | (rid >= prev_end))
            cur = ys_ref[pl.ds(base, TM), :]
            y = jnp.where(k == 0, part + b2, cur + part)
            ys_ref[pl.ds(base, TM), :] = jnp.where(m, y, cur)

        return carry

    lax.fori_loop(0, nt, tile, 0)


def _grouped_mlp(offs, zs, W1, b1, W2, b2):
    return pl.pallas_call(
        _mlp_body,
        grid=(NC, KH),
        in_specs=[
            pl.BlockSpec(memory_space=pltpu.SMEM),
            pl.BlockSpec((B, D), lambda i, k: (0, 0)),
            pl.BlockSpec((1, D, HC), lambda i, k: (i, 0, k)),
            pl.BlockSpec((1, 1, HC), lambda i, k: (i, 0, k)),
            pl.BlockSpec((1, HC, D), lambda i, k: (i, k, 0)),
            pl.BlockSpec((1, 1, D), lambda i, k: (i, 0, 0)),
        ],
        out_specs=pl.BlockSpec((B, D), lambda i, k: (0, 0)),
        out_shape=jax.ShapeDtypeStruct((B, D), jnp.float32),
        compiler_params=pltpu.CompilerParams(
            vmem_limit_bytes=128 * 1024 * 1024,
        ),
    )(offs, zs, W1, b1, W2, b2)


def kernel(z3d, class_ids, W1, b1, W2, b2):
    cid = class_ids.astype(jnp.int32).reshape(B, 1)
    dest, offs = _routing(cid)
    dest_flat = dest.reshape(B)
    zs = _make_sc_scatter_f32()(z3d, dest_flat).astype(jnp.bfloat16)
    ys = _grouped_mlp(
        offs.reshape(128), zs,
        W1, b1.reshape(NC, 1, H), W2, b2.reshape(NC, 1, D))
    return _make_sc_gather()(ys, dest_flat)

# --- scband reference (transcript-rebuilt; emitter-appended) ---
"""Pipeline reference for scband-per-class-adapter-89300960019218 (READ-ONLY COPY).

The authoritative reference and input builder live on the scoring server;
editing this copy changes nothing except your own understanding.
"""

import jax, jax.numpy as jnp
import numpy as np

LATENT_DIM = 1024
NUM_CLASSES = 16
HIDDEN_DIM = 4096
B = 2048


def setup_inputs(seed: int = 0) -> dict:
    key = jax.random.key(seed)
    k1, k2, k3, k4, k5, k6 = jax.random.split(key, 6)
    z3d = jax.random.normal(k1, (B, LATENT_DIM), dtype=jnp.float32)
    class_ids = jax.random.randint(k2, (B,), 0, NUM_CLASSES, dtype=jnp.int64)
    # Per-class adapter parameters (stacked nn.Linear weights for each class)
    # torch Linear: y = x @ W.T + b ; here we store W already transposed: [in, out]
    W1 = jax.random.normal(k3, (NUM_CLASSES, LATENT_DIM, HIDDEN_DIM), dtype=jnp.float32) * 0.02
    b1 = jnp.zeros((NUM_CLASSES, HIDDEN_DIM), dtype=jnp.float32)
    W2 = jax.random.normal(k4, (NUM_CLASSES, HIDDEN_DIM, LATENT_DIM), dtype=jnp.float32) * 0.02
    b2 = jnp.zeros((NUM_CLASSES, LATENT_DIM), dtype=jnp.float32)
    return {"z3d": z3d, "class_ids": class_ids, "W1": W1, "b1": b1, "W2": W2, "b2": b2}


def reference(z3d, class_ids, W1, b1, W2, b2):
    """Faithful translation of PerClassAdapter.forward with hidden_dim > 0.

    For each class i: tokens with class_ids == i are passed through
    Linear(latent, hidden) -> ReLU -> Linear(hidden, latent), then scattered
    back into the output at their original positions.
    """
    num_classes = W1.shape[0]
    output = jnp.zeros_like(z3d)
    for i in range(num_classes):
        mask = (class_ids == i)[:, None]       # fixed-shape membership mask for class i
        h = jax.nn.relu(z3d @ W1[i] + b1[i])   # [B, hidden]
        yi = h @ W2[i] + b2[i]                 # [B, latent]
        output = jnp.where(mask, yi, output)   # overwrite rows of class i
    return output

if __name__ == "__main__":
    import jax
    _d = setup_inputs()
    print(jax.jit(kernel)(*tuple(_d.values())))

</pallas_src>

<mosaic_0001>
#map = affine_map<(d0, d1) -> (0, 0)>
#map1 = affine_map<(d0, d1) -> (0)>
module attributes {stable_mosaic.version = 14 : i64} {
  func.func @gather_k(%arg0: i32, %arg1: i32, %arg2: memref<2048x1024xf32, #tpu.memory_space<hbm>>, %arg3: memref<2048xi32, #tpu.memory_space<hbm>>, %arg4: memref<2048x1024xf32, #tpu.memory_space<hbm>>, %arg5: memref<64xi32, #tpu.memory_space<vmem>>, %arg6: memref<64x1024xf32, #tpu.memory_space<vmem>>, %arg7: memref<!tpu.dma_semaphore, #tpu.memory_space<semaphore_mem>>, %arg8: memref<!tpu.dma_semaphore, #tpu.memory_space<semaphore_mem>>, %arg9: memref<!tpu.dma_semaphore, #tpu.memory_space<semaphore_mem>>) attributes {dimension_semantics = [#tpu.dimension_semantics<core_parallel>, #tpu.dimension_semantics<subcore_parallel>], iteration_bounds = array<i64: 2, 16>, scalar_prefetch = 0 : i64, scratch_operands = 5 : i64, tpu.core_type = #tpu.core_type<sc_vector_subcore>, window_params = [{transform_indices = #map}, {transform_indices = #map1}, {transform_indices = #map}]} {
    %mul3A = arith.constant 2 : i32
    %mul3A_0 = arith.muli %arg1, %mul3A : i32
    %add3A = arith.addi %mul3A_0, %arg0 : i32
    %mul3A_1 = arith.constant 64 : i32
    %mul3A_2 = arith.muli %add3A, %mul3A_1 : i32
    "tpu.region"() ({
      %run_scoped3A = tpu.sem_alloc : memref<!tpu.dma_semaphore, #tpu.memory_space<semaphore_mem>>
      %dma_start3A_75 = tpu.memref_slice %arg3[%mul3A_2] : memref<2048xi32, #tpu.memory_space<hbm>> -> memref<64xi32, #tpu.memory_space<hbm>>
      %dma_start3A_76 = tpu.memref_slice %arg3[%mul3A_2] : memref<2048xi32, #tpu.memory_space<hbm>> -> memref<64xi32, #tpu.memory_space<hbm>>
      tpu.enqueue_dma source(%dma_start3A_76 : memref<64xi32, #tpu.memory_space<hbm>>) target(%arg5 : memref<64xi32, #tpu.memory_space<vmem>>) target_semaphore(%run_scoped3A : memref<!tpu.dma_semaphore, #tpu.memory_space<semaphore_mem>>)
      %dma_wait3A_77 = tpu.memref_slice %arg3[%mul3A_2] : memref<2048xi32, #tpu.memory_space<hbm>> -> memref<64xi32, #tpu.memory_space<hbm>>
      %dma_wait3A_78 = tpu.memref_slice %arg3[%mul3A_2] : memref<2048xi32, #tpu.memory_space<hbm>> -> memref<64xi32, #tpu.memory_space<hbm>>
      tpu.wait_dma2 semaphore(%run_scoped3A : memref<!tpu.dma_semaphore, #tpu.memory_space<semaphore_mem>>) src(%dma_wait3A_78 : memref<64xi32, #tpu.memory_space<hbm>>) dst(%arg5 : memref<64xi32, #tpu.memory_space<vmem>>)
      tpu.yield
    }) : () -> ()
    %dma_start3A = arith.constant 0 : i32
    %dma_start3A_3 = arith.constant 0 : i32
    %dma_start3A_4 = tpu.memref_slice %arg6[%dma_start3A, %dma_start3A_3] : memref<64x1024xf32, #tpu.memory_space<vmem>> -> memref<32x1024xf32, #tpu.memory_space<vmem>>
    %dma_start3A_5 = arith.constant 0 : i32
    %dma_start3A_6 = tpu.memref_slice %arg5[%dma_start3A_5] : memref<64xi32, #tpu.memory_space<vmem>> -> memref<32xi32, #tpu.memory_space<vmem>>
    %dma_start3A_7 = arith.constant 0 : i32
    %dma_start3A_8 = arith.constant 0 : i32
    %dma_start3A_9 = tpu.memref_slice %arg2[%dma_start3A_7, %dma_start3A_8] : memref<2048x1024xf32, #tpu.memory_space<hbm>> -> memref<2048x1024xf32, #tpu.memory_space<hbm>>
    tpu.enqueue_indirect_dma source(%dma_start3A_9 : memref<2048x1024xf32, #tpu.memory_space<hbm>>) target(%dma_start3A_4 : memref<32x1024xf32, #tpu.memory_space<vmem>>) offsets(%dma_start3A_6 : memref<32xi32, #tpu.memory_space<vmem>>) semaphore(%arg7 : memref<!tpu.dma_semaphore, #tpu.memory_space<semaphore_mem>>)
    %dma_start3A_10 = arith.constant 32 : i32
    %dma_start3A_11 = arith.constant 0 : i32
    %dma_start3A_12 = tpu.memref_slice %arg6[%dma_start3A_10, %dma_start3A_11] : memref<64x1024xf32, #tpu.memory_space<vmem>> -> memref<32x1024xf32, #tpu.memory_space<vmem>>
    %dma_start3A_13 = arith.constant 32 : i32
    %dma_start3A_14 = tpu.memref_slice %arg5[%dma_start3A_13] : memref<64xi32, #tpu.memory_space<vmem>> -> memref<32xi32, #tpu.memory_space<vmem>>
    %dma_start3A_15 = arith.constant 0 : i32
    %dma_start3A_16 = arith.constant 0 : i32
    %dma_start3A_17 = tpu.memref_slice %arg2[%dma_start3A_15, %dma_start3A_16] : memref<2048x1024xf32, #tpu.memory_space<hbm>> -> memref<2048x1024xf32, #tpu.memory_space<hbm>>
    tpu.enqueue_indirect_dma source(%dma_start3A_17 : memref<2048x1024xf32, #tpu.memory_space<hbm>>) target(%dma_start3A_12 : memref<32x1024xf32, #tpu.memory_space<vmem>>) offsets(%dma_start3A_14 : memref<32xi32, #tpu.memory_space<vmem>>) semaphore(%arg8 : memref<!tpu.dma_semaphore, #tpu.memory_space<semaphore_mem>>)
    %dma_wait3A = arith.constant 0 : i32
    %dma_wait3A_18 = arith.constant 0 : i32
    %dma_wait3A_19 = tpu.memref_slice %arg6[%dma_wait3A, %dma_wait3A_18] : memref<64x1024xf32, #tpu.memory_space<vmem>> -> memref<32x1024xf32, #tpu.memory_space<vmem>>
    %dma_wait3A_20 = arith.constant 0 : i32
    %dma_wait3A_21 = tpu.memref_slice %arg5[%dma_wait3A_20] : memref<64xi32, #tpu.memory_space<vmem>> -> memref<32xi32, #tpu.memory_space<vmem>>
    %dma_wait3A_22 = arith.constant 0 : i32
    %dma_wait3A_23 = arith.constant 0 : i32
    %dma_wait3A_24 = tpu.memref_slice %arg2[%dma_wait3A_22, %dma_wait3A_23] : memref<2048x1024xf32, #tpu.memory_space<hbm>> -> memref<2048x1024xf32, #tpu.memory_space<hbm>>
    tpu.wait_indirect_dma semaphore(%arg7 : memref<!tpu.dma_semaphore, #tpu.memory_space<semaphore_mem>>) src(%dma_wait3A_24 : memref<2048x1024xf32, #tpu.memory_space<hbm>>) dst(%dma_wait3A_19 : memref<32x1024xf32, #tpu.memory_space<vmem>>)
    %dma_start3A_25 = arith.constant 0 : i32
    %dma_start3A_26 = arith.constant 0 : i32
    %dma_start3A_27 = tpu.memref_slice %arg6[%dma_start3A_25, %dma_start3A_26] : memref<64x1024xf32, #tpu.memory_space<vmem>> -> memref<32x1024xf32, #tpu.memory_space<vmem>>
    %dma_start3A_28 = arith.constant 0 : i32
    %dma_start3A_29 = tpu.memref_slice %arg4[%mul3A_2, %dma_start3A_28] : memref<2048x1024xf32, #tpu.memory_space<hbm>> -> memref<32x1024xf32, #tpu.memory_space<hbm>>
    %dma_start3A_30 = arith.constant 0 : i32
    %dma_start3A_31 = tpu.memref_slice %arg4[%mul3A_2, %dma_start3A_30] : memref<2048x1024xf32, #tpu.memory_space<hbm>> -> memref<32x1024xf32, #tpu.memory_space<hbm>>
    %dma_start3A_32 = arith.constant 0 : i32
    %dma_start3A_33 = arith.constant 0 : i32
    %dma_start3A_34 = tpu.memref_slice %arg6[%dma_start3A_32, %dma_start3A_33] : memref<64x1024xf32, #tpu.memory_space<vmem>> -> memref<32x1024xf32, #tpu.memory_space<vmem>>
    tpu.enqueue_dma source(%dma_start3A_34 : memref<32x1024xf32, #tpu.memory_space<vmem>>) target(%dma_start3A_31 : memref<32x1024xf32, #tpu.memory_space<hbm>>) target_semaphore(%arg9 : memref<!tpu.dma_semaphore, #tpu.memory_space<semaphore_mem>>)
    %dma_wait3A_35 = arith.constant 32 : i32
    %dma_wait3A_36 = arith.constant 0 : i32
    %dma_wait3A_37 = tpu.memref_slice %arg6[%dma_wait3A_35, %dma_wait3A_36] : memref<64x1024xf32, #tpu.memory_space<vmem>> -> memref<32x1024xf32, #tpu.memory_space<vmem>>
    %dma_wait3A_38 = arith.constant 32 : i32
    %dma_wait3A_39 = tpu.memref_slice %arg5[%dma_wait3A_38] : memref<64xi32, #tpu.memory_space<vmem>> -> memref<32xi32, #tpu.memory_space<vmem>>
    %dma_wait3A_40 = arith.constant 0 : i32
    %dma_wait3A_41 = arith.constant 0 : i32
    %dma_wait3A_42 = tpu.memref_slice %arg2[%dma_wait3A_40, %dma_wait3A_41] : memref<2048x1024xf32, #tpu.memory_space<hbm>> -> memref<2048x1024xf32, #tpu.memory_space<hbm>>
    tpu.wait_indirect_dma semaphore(%arg8 : memref<!tpu.dma_semaphore, #tpu.memory_space<semaphore_mem>>) src(%dma_wait3A_42 : memref<2048x1024xf32, #tpu.memory_space<hbm>>) dst(%dma_wait3A_37 : memref<32x1024xf32, #tpu.memory_space<vmem>>)
    %add3A_43 = arith.constant 32 : i32
    %add3A_44 = arith.addi %mul3A_2, %add3A_43 : i32
    %dma_start3A_45 = arith.constant 32 : i32
    %dma_start3A_46 = arith.constant 0 : i32
    %dma_start3A_47 = tpu.memref_slice %arg6[%dma_start3A_45, %dma_start3A_46] : memref<64x1024xf32, #tpu.memory_space<vmem>> -> memref<32x1024xf32, #tpu.memory_space<vmem>>
    %dma_start3A_48 = arith.constant 0 : i32
    %dma_start3A_49 = tpu.memref_slice %arg4[%add3A_44, %dma_start3A_48] : memref<2048x1024xf32, #tpu.memory_space<hbm>> -> memref<32x1024xf32, #tpu.memory_space<hbm>>
    %dma_start3A_50 = arith.constant 0 : i32
    %dma_start3A_51 = tpu.memref_slice %arg4[%add3A_44, %dma_start3A_50] : memref<2048x1024xf32, #tpu.memory_space<hbm>> -> memref<32x1024xf32, #tpu.memory_space<hbm>>
    %dma_start3A_52 = arith.constant 32 : i32
    %dma_start3A_53 = arith.constant 0 : i32
    %dma_start3A_54 = tpu.memref_slice %arg6[%dma_start3A_52, %dma_start3A_53] : memref<64x1024xf32, #tpu.memory_space<vmem>> -> memref<32x1024xf32, #tpu.memory_space<vmem>>
    tpu.enqueue_dma source(%dma_start3A_54 : memref<32x1024xf32, #tpu.memory_space<vmem>>) target(%dma_start3A_51 : memref<32x1024xf32, #tpu.memory_space<hbm>>) target_semaphore(%arg9 : memref<!tpu.dma_semaphore, #tpu.memory_space<semaphore_mem>>)
    %dma_wait3A_55 = arith.constant 0 : i32
    %dma_wait3A_56 = arith.constant 0 : i32
    %dma_wait3A_57 = tpu.memref_slice %arg6[%dma_wait3A_55, %dma_wait3A_56] : memref<64x1024xf32, #tpu.memory_space<vmem>> -> memref<32x1024xf32, #tpu.memory_space<vmem>>
    %dma_wait3A_58 = arith.constant 0 : i32
    %dma_wait3A_59 = tpu.memref_slice %arg4[%mul3A_2, %dma_wait3A_58] : memref<2048x1024xf32, #tpu.memory_space<hbm>> -> memref<32x1024xf32, #tpu.memory_space<hbm>>
    %dma_wait3A_60 = arith.constant 0 : i32
    %dma_wait3A_61 = tpu.memref_slice %arg4[%mul3A_2, %dma_wait3A_60] : memref<2048x1024xf32, #tpu.memory_space<hbm>> -> memref<32x1024xf32, #tpu.memory_space<hbm>>
    %dma_wait3A_62 = arith.constant 0 : i32
    %dma_wait3A_63 = arith.constant 0 : i32
    %dma_wait3A_64 = tpu.memref_slice %arg6[%dma_wait3A_62, %dma_wait3A_63] : memref<64x1024xf32, #tpu.memory_space<vmem>> -> memref<32x1024xf32, #tpu.memory_space<vmem>>
    tpu.wait_dma2 semaphore(%arg9 : memref<!tpu.dma_semaphore, #tpu.memory_space<semaphore_mem>>) src(%dma_wait3A_64 : memref<32x1024xf32, #tpu.memory_space<vmem>>) dst(%dma_wait3A_61 : memref<32x1024xf32, #tpu.memory_space<hbm>>)
    %dma_wait3A_65 = arith.constant 32 : i32
    %dma_wait3A_66 = arith.constant 0 : i32
    %dma_wait3A_67 = tpu.memref_slice %arg6[%dma_wait3A_65, %dma_wait3A_66] : memref<64x1024xf32, #tpu.memory_space<vmem>> -> memref<32x1024xf32, #tpu.memory_space<vmem>>
    %dma_wait3A_68 = arith.constant 0 : i32
    %dma_wait3A_69 = tpu.memref_slice %arg4[%add3A_44, %dma_wait3A_68] : memref<2048x1024xf32, #tpu.memory_space<hbm>> -> memref<32x1024xf32, #tpu.memory_space<hbm>>
    %dma_wait3A_70 = arith.constant 0 : i32
    %dma_wait3A_71 = tpu.memref_slice %arg4[%add3A_44, %dma_wait3A_70] : memref<2048x1024xf32, #tpu.memory_space<hbm>> -> memref<32x1024xf32, #tpu.memory_space<hbm>>
    %dma_wait3A_72 = arith.constant 32 : i32
    %dma_wait3A_73 = arith.constant 0 : i32
    %dma_wait3A_74 = tpu.memref_slice %arg6[%dma_wait3A_72, %dma_wait3A_73] : memref<64x1024xf32, #tpu.memory_space<vmem>> -> memref<32x1024xf32, #tpu.memory_space<vmem>>
    tpu.wait_dma2 semaphore(%arg9 : memref<!tpu.dma_semaphore, #tpu.memory_space<semaphore_mem>>) src(%dma_wait3A_74 : memref<32x1024xf32, #tpu.memory_space<vmem>>) dst(%dma_wait3A_71 : memref<32x1024xf32, #tpu.memory_space<hbm>>)
    return
  }
}

#map = affine_map<(d0, d1) -> (0, 0)>
#map1 = affine_map<(d0, d1) -> (0)>
module attributes {stable_mosaic.version = 14 : i64} {
  func.func @scatter_k(%arg0: i32, %arg1: i32, %arg2: memref<2048x1024xf32, #tpu.memory_space<hbm>>, %arg3: memref<2048xi32, #tpu.memory_space<hbm>>, %arg4: memref<2048x1024xf32, #tpu.memory_space<hbm>>, %arg5: memref<32xi32, #tpu.memory_space<vmem>>, %arg6: memref<32xi32, #tpu.memory_space<vmem>>, %arg7: memref<64x1024xf32, #tpu.memory_space<vmem>>, %arg8: memref<!tpu.dma_semaphore, #tpu.memory_space<semaphore_mem>>, %arg9: memref<!tpu.dma_semaphore, #tpu.memory_space<semaphore_mem>>, %arg10: memref<!tpu.dma_semaphore, #tpu.memory_space<semaphore_mem>>, %arg11: memref<!tpu.dma_semaphore, #tpu.memory_space<semaphore_mem>>) attributes {dimension_semantics = [#tpu.dimension_semantics<core_parallel>, #tpu.dimension_semantics<subcore_parallel>], iteration_bounds = array<i64: 2, 16>, scalar_prefetch = 0 : i64, scratch_operands = 7 : i64, tpu.core_type = #tpu.core_type<sc_vector_subcore>, window_params = [{transform_indices = #map}, {transform_indices = #map1}, {transform_indices = #map}]} {
    %mul3A = arith.constant 2 : i32
    %mul3A_0 = arith.muli %arg1, %mul3A : i32
    %add3A = arith.addi %mul3A_0, %arg0 : i32
    %mul3A_1 = arith.constant 64 : i32
    %mul3A_2 = arith.muli %add3A, %mul3A_1 : i32
    "tpu.region"() ({
      %run_scoped3A = tpu.sem_alloc : memref<!tpu.dma_semaphore, #tpu.memory_space<semaphore_mem>>
      %dma_start3A_69 = tpu.memref_slice %arg3[%mul3A_2] : memref<2048xi32, #tpu.memory_space<hbm>> -> memref<32xi32, #tpu.memory_space<hbm>>
      %dma_start3A_70 = tpu.memref_slice %arg3[%mul3A_2] : memref<2048xi32, #tpu.memory_space<hbm>> -> memref<32xi32, #tpu.memory_space<hbm>>
      tpu.enqueue_dma source(%dma_start3A_70 : memref<32xi32, #tpu.memory_space<hbm>>) target(%arg5 : memref<32xi32, #tpu.memory_space<vmem>>) target_semaphore(%run_scoped3A : memref<!tpu.dma_semaphore, #tpu.memory_space<semaphore_mem>>)
      %dma_wait3A_71 = tpu.memref_slice %arg3[%mul3A_2] : memref<2048xi32, #tpu.memory_space<hbm>> -> memref<32xi32, #tpu.memory_space<hbm>>
      %dma_wait3A_72 = tpu.memref_slice %arg3[%mul3A_2] : memref<2048xi32, #tpu.memory_space<hbm>> -> memref<32xi32, #tpu.memory_space<hbm>>
      tpu.wait_dma2 semaphore(%run_scoped3A : memref<!tpu.dma_semaphore, #tpu.memory_space<semaphore_mem>>) src(%dma_wait3A_72 : memref<32xi32, #tpu.memory_space<hbm>>) dst(%arg5 : memref<32xi32, #tpu.memory_space<vmem>>)
      tpu.yield
    }) : () -> ()
    %add3A_3 = arith.constant 32 : i32
    %add3A_4 = arith.addi %mul3A_2, %add3A_3 : i32
    "tpu.region"() ({
      %run_scoped3A = tpu.sem_alloc : memref<!tpu.dma_semaphore, #tpu.memory_space<semaphore_mem>>
      %dma_start3A_69 = tpu.memref_slice %arg3[%add3A_4] : memref<2048xi32, #tpu.memory_space<hbm>> -> memref<32xi32, #tpu.memory_space<hbm>>
      %dma_start3A_70 = tpu.memref_slice %arg3[%add3A_4] : memref<2048xi32, #tpu.memory_space<hbm>> -> memref<32xi32, #tpu.memory_space<hbm>>
      tpu.enqueue_dma source(%dma_start3A_70 : memref<32xi32, #tpu.memory_space<hbm>>) target(%arg6 : memref<32xi32, #tpu.memory_space<vmem>>) target_semaphore(%run_scoped3A : memref<!tpu.dma_semaphore, #tpu.memory_space<semaphore_mem>>)
      %dma_wait3A_71 = tpu.memref_slice %arg3[%add3A_4] : memref<2048xi32, #tpu.memory_space<hbm>> -> memref<32xi32, #tpu.memory_space<hbm>>
      %dma_wait3A_72 = tpu.memref_slice %arg3[%add3A_4] : memref<2048xi32, #tpu.memory_space<hbm>> -> memref<32xi32, #tpu.memory_space<hbm>>
      tpu.wait_dma2 semaphore(%run_scoped3A : memref<!tpu.dma_semaphore, #tpu.memory_space<semaphore_mem>>) src(%dma_wait3A_72 : memref<32xi32, #tpu.memory_space<hbm>>) dst(%arg6 : memref<32xi32, #tpu.memory_space<vmem>>)
      tpu.yield
    }) : () -> ()
    %dma_start3A = arith.constant 0 : i32
    %dma_start3A_5 = arith.constant 0 : i32
    %dma_start3A_6 = tpu.memref_slice %arg7[%dma_start3A, %dma_start3A_5] : memref<64x1024xf32, #tpu.memory_space<vmem>> -> memref<32x1024xf32, #tpu.memory_space<vmem>>
    %dma_start3A_7 = arith.constant 0 : i32
    %dma_start3A_8 = tpu.memref_slice %arg2[%mul3A_2, %dma_start3A_7] : memref<2048x1024xf32, #tpu.memory_space<hbm>> -> memref<32x1024xf32, #tpu.memory_space<hbm>>
    %dma_start3A_9 = arith.constant 0 : i32
    %dma_start3A_10 = arith.constant 0 : i32
    %dma_start3A_11 = tpu.memref_slice %arg7[%dma_start3A_9, %dma_start3A_10] : memref<64x1024xf32, #tpu.memory_space<vmem>> -> memref<32x1024xf32, #tpu.memory_space<vmem>>
    %dma_start3A_12 = arith.constant 0 : i32
    %dma_start3A_13 = tpu.memref_slice %arg2[%mul3A_2, %dma_start3A_12] : memref<2048x1024xf32, #tpu.memory_space<hbm>> -> memref<32x1024xf32, #tpu.memory_space<hbm>>
    tpu.enqueue_dma source(%dma_start3A_13 : memref<32x1024xf32, #tpu.memory_space<hbm>>) target(%dma_start3A_11 : memref<32x1024xf32, #tpu.memory_space<vmem>>) target_semaphore(%arg8 : memref<!tpu.dma_semaphore, #tpu.memory_space<semaphore_mem>>)
    %add3A_14 = arith.constant 32 : i32
    %add3A_15 = arith.addi %mul3A_2, %add3A_14 : i32
    %dma_start3A_16 = arith.constant 32 : i32
    %dma_start3A_17 = arith.constant 0 : i32
    %dma_start3A_18 = tpu.memref_slice %arg7[%dma_start3A_16, %dma_start3A_17] : memref<64x1024xf32, #tpu.memory_space<vmem>> -> memref<32x1024xf32, #tpu.memory_space<vmem>>
    %dma_start3A_19 = arith.constant 0 : i32
    %dma_start3A_20 = tpu.memref_slice %arg2[%add3A_15, %dma_start3A_19] : memref<2048x1024xf32, #tpu.memory_space<hbm>> -> memref<32x1024xf32, #tpu.memory_space<hbm>>
    %dma_start3A_21 = arith.constant 32 : i32
    %dma_start3A_22 = arith.constant 0 : i32
    %dma_start3A_23 = tpu.memref_slice %arg7[%dma_start3A_21, %dma_start3A_22] : memref<64x1024xf32, #tpu.memory_space<vmem>> -> memref<32x1024xf32, #tpu.memory_space<vmem>>
    %dma_start3A_24 = arith.constant 0 : i32
    %dma_start3A_25 = tpu.memref_slice %arg2[%add3A_15, %dma_start3A_24] : memref<2048x1024xf32, #tpu.memory_space<hbm>> -> memref<32x1024xf32, #tpu.memory_space<hbm>>
    tpu.enqueue_dma source(%dma_start3A_25 : memref<32x1024xf32, #tpu.memory_space<hbm>>) target(%dma_start3A_23 : memref<32x1024xf32, #tpu.memory_space<vmem>>) target_semaphore(%arg9 : memref<!tpu.dma_semaphore, #tpu.memory_space<semaphore_mem>>)
    %dma_wait3A = arith.constant 0 : i32
    %dma_wait3A_26 = arith.constant 0 : i32
    %dma_wait3A_27 = tpu.memref_slice %arg7[%dma_wait3A, %dma_wait3A_26] : memref<64x1024xf32, #tpu.memory_space<vmem>> -> memref<32x1024xf32, #tpu.memory_space<vmem>>
    %dma_wait3A_28 = arith.constant 0 : i32
    %dma_wait3A_29 = tpu.memref_slice %arg2[%mul3A_2, %dma_wait3A_28] : memref<2048x1024xf32, #tpu.memory_space<hbm>> -> memref<32x1024xf32, #tpu.memory_space<hbm>>
    %dma_wait3A_30 = arith.constant 0 : i32
    %dma_wait3A_31 = arith.constant 0 : i32
    %dma_wait3A_32 = tpu.memref_slice %arg7[%dma_wait3A_30, %dma_wait3A_31] : memref<64x1024xf32, #tpu.memory_space<vmem>> -> memref<32x1024xf32, #tpu.memory_space<vmem>>
    %dma_wait3A_33 = arith.constant 0 : i32
    %dma_wait3A_34 = tpu.memref_slice %arg2[%mul3A_2, %dma_wait3A_33] : memref<2048x1024xf32, #tpu.memory_space<hbm>> -> memref<32x1024xf32, #tpu.memory_space<hbm>>
    tpu.wait_dma2 semaphore(%arg8 : memref<!tpu.dma_semaphore, #tpu.memory_space<semaphore_mem>>) src(%dma_wait3A_34 : memref<32x1024xf32, #tpu.memory_space<hbm>>) dst(%dma_wait3A_32 : memref<32x1024xf32, #tpu.memory_space<vmem>>)
    %dma_start3A_35 = arith.constant 0 : i32
    %dma_start3A_36 = arith.constant 0 : i32
    %dma_start3A_37 = tpu.memref_slice %arg7[%dma_start3A_35, %dma_start3A_36] : memref<64x1024xf32, #tpu.memory_space<vmem>> -> memref<32x1024xf32, #tpu.memory_space<vmem>>
    %dma_start3A_38 = arith.constant 0 : i32
    %dma_start3A_39 = arith.constant 0 : i32
    %dma_start3A_40 = tpu.memref_slice %arg4[%dma_start3A_38, %dma_start3A_39] : memref<2048x1024xf32, #tpu.memory_space<hbm>> -> memref<2048x1024xf32, #tpu.memory_space<hbm>>
    tpu.enqueue_indirect_dma source(%dma_start3A_37 : memref<32x1024xf32, #tpu.memory_space<vmem>>) target(%dma_start3A_40 : memref<2048x1024xf32, #tpu.memory_space<hbm>>) offsets(%arg5 : memref<32xi32, #tpu.memory_space<vmem>>) semaphore(%arg10 : memref<!tpu.dma_semaphore, #tpu.memory_space<semaphore_mem>>)
    %dma_wait3A_41 = arith.constant 32 : i32
    %dma_wait3A_42 = arith.constant 0 : i32
    %dma_wait3A_43 = tpu.memref_slice %arg7[%dma_wait3A_41, %dma_wait3A_42] : memref<64x1024xf32, #tpu.memory_space<vmem>> -> memref<32x1024xf32, #tpu.memory_space<vmem>>
    %dma_wait3A_44 = arith.constant 0 : i32
    %dma_wait3A_45 = tpu.memref_slice %arg2[%add3A_15, %dma_wait3A_44] : memref<2048x1024xf32, #tpu.memory_space<hbm>> -> memref<32x1024xf32, #tpu.memory_space<hbm>>
    %dma_wait3A_46 = arith.constant 32 : i32
    %dma_wait3A_47 = arith.constant 0 : i32
    %dma_wait3A_48 = tpu.memref_slice %arg7[%dma_wait3A_46, %dma_wait3A_47] : memref<64x1024xf32, #tpu.memory_space<vmem>> -> memref<32x1024xf32, #tpu.memory_space<vmem>>
    %dma_wait3A_49 = arith.constant 0 : i32
    %dma_wait3A_50 = tpu.memref_slice %arg2[%add3A_15, %dma_wait3A_49] : memref<2048x1024xf32, #tpu.memory_space<hbm>> -> memref<32x1024xf32, #tpu.memory_space<hbm>>
    tpu.wait_dma2 semaphore(%arg9 : memref<!tpu.dma_semaphore, #tpu.memory_space<semaphore_mem>>) src(%dma_wait3A_50 : memref<32x1024xf32, #tpu.memory_space<hbm>>) dst(%dma_wait3A_48 : memref<32x1024xf32, #tpu.memory_space<vmem>>)
    %dma_start3A_51 = arith.constant 32 : i32
    %dma_start3A_52 = arith.constant 0 : i32
    %dma_start3A_53 = tpu.memref_slice %arg7[%dma_start3A_51, %dma_start3A_52] : memref<64x1024xf32, #tpu.memory_space<vmem>> -> memref<32x1024xf32, #tpu.memory_space<vmem>>
    %dma_start3A_54 = arith.constant 0 : i32
    %dma_start3A_55 = arith.constant 0 : i32
    %dma_start3A_56 = tpu.memref_slice %arg4[%dma_start3A_54, %dma_start3A_55] : memref<2048x1024xf32, #tpu.memory_space<hbm>> -> memref<2048x1024xf32, #tpu.memory_space<hbm>>
    tpu.enqueue_indirect_dma source(%dma_start3A_53 : memref<32x1024xf32, #tpu.memory_space<vmem>>) target(%dma_start3A_56 : memref<2048x1024xf32, #tpu.memory_space<hbm>>) offsets(%arg6 : memref<32xi32, #tpu.memory_space<vmem>>) semaphore(%arg11 : memref<!tpu.dma_semaphore, #tpu.memory_space<semaphore_mem>>)
    %dma_wait3A_57 = arith.constant 0 : i32
    %dma_wait3A_58 = arith.constant 0 : i32
    %dma_wait3A_59 = tpu.memref_slice %arg7[%dma_wait3A_57, %dma_wait3A_58] : memref<64x1024xf32, #tpu.memory_space<vmem>> -> memref<32x1024xf32, #tpu.memory_space<vmem>>
    %dma_wait3A_60 = arith.constant 0 : i32
    %dma_wait3A_61 = arith.constant 0 : i32
    %dma_wait3A_62 = tpu.memref_slice %arg4[%dma_wait3A_60, %dma_wait3A_61] : memref<2048x1024xf32, #tpu.memory_space<hbm>> -> memref<2048x1024xf32, #tpu.memory_space<hbm>>
    tpu.wait_indirect_dma semaphore(%arg10 : memref<!tpu.dma_semaphore, #tpu.memory_space<semaphore_mem>>) src(%dma_wait3A_59 : memref<32x1024xf32, #tpu.memory_space<vmem>>) dst(%dma_wait3A_62 : memref<2048x1024xf32, #tpu.memory_space<hbm>>)
    %dma_wait3A_63 = arith.constant 32 : i32
    %dma_wait3A_64 = arith.constant 0 : i32
    %dma_wait3A_65 = tpu.memref_slice %arg7[%dma_wait3A_63, %dma_wait3A_64] : memref<64x1024xf32, #tpu.memory_space<vmem>> -> memref<32x1024xf32, #tpu.memory_space<vmem>>
    %dma_wait3A_66 = arith.constant 0 : i32
    %dma_wait3A_67 = arith.constant 0 : i32
    %dma_wait3A_68 = tpu.memref_slice %arg4[%dma_wait3A_66, %dma_wait3A_67] : memref<2048x1024xf32, #tpu.memory_space<hbm>> -> memref<2048x1024xf32, #tpu.memory_space<hbm>>
    tpu.wait_indirect_dma semaphore(%arg11 : memref<!tpu.dma_semaphore, #tpu.memory_space<semaphore_mem>>) src(%dma_wait3A_65 : memref<32x1024xf32, #tpu.memory_space<vmem>>) dst(%dma_wait3A_68 : memref<2048x1024xf32, #tpu.memory_space<hbm>>)
    return
  }
}

module attributes {stable_mosaic.version = 14 : i64} {
  func.func @_routing_body(%arg0: i32, %arg1: memref<2048x1xi32, #tpu.memory_space<vmem>>, %arg2: memref<2048x1xi32, #tpu.memory_space<vmem>>, %arg3: memref<1x128xi32, #tpu.memory_space<vmem>>, %arg4: memref<2048x128xf32, #tpu.memory_space<vmem>>, %arg5: memref<1x128xf32, #tpu.memory_space<vmem>>) attributes {dimension_semantics = [#tpu.dimension_semantics<arbitrary>], iteration_bounds = array<i64: 16>, scalar_prefetch = 0 : i64, scratch_operands = 2 : i64, tpu.core_type = #tpu.core_type<tc>, window_params = [{pipeline_mode = #tpu.pipeline_mode<synchronous>, transform_indices = @transform_0, window_bounds = array<i64: 2048, 1>}, {pipeline_mode = #tpu.pipeline_mode<synchronous>, transform_indices = @transform_1, window_bounds = array<i64: 2048, 1>}, {pipeline_mode = #tpu.pipeline_mode<synchronous>, transform_indices = @transform_2, window_bounds = array<i64: 1, 128>}]} {
    %eq3A = arith.constant 0 : i32
    %eq3A_0 = arith.cmpi eq, %arg0, %eq3A : i32
    %convert_element_type3A = arith.extui %eq3A_0 : i1 to i32
    %cond3A = arith.constant 0 : i32
    %cond3A_1 = arith.cmpi ne, %convert_element_type3A, %cond3A : i32
    scf.if %cond3A_1 {
      %get3A_29 = arith.constant 0 : index
      %get3A_30 = arith.constant 0 : index
      %get3A_31 = vector.load %arg1[%get3A_29, %get3A_30] : memref<2048x1xi32, #tpu.memory_space<vmem>>, vector<2048x1xi32>
      %iota3A_32 = tpu.iota {dimensions = array<i32: 1>} : vector<2048x128xi32>
      %eq3A_33 = vector.broadcast %get3A_31 : vector<2048x1xi32> to vector<2048x128xi32>
      %eq3A_34 = arith.cmpi eq, %eq3A_33, %iota3A_32 : vector<2048x128xi32>
      %convert_element_type3A_35 = arith.extui %eq3A_34 : vector<2048x128xi1> to vector<2048x128xi32>
      %convert_element_type3A_36 = arith.sitofp %convert_element_type3A_35 : vector<2048x128xi32> to vector<2048x128xf32>
      %swap3A_37 = arith.constant 0 : index
      %swap3A_38 = arith.constant 0 : index
      %swap3A_39 = vector.load %arg4[%swap3A_37, %swap3A_38] : memref<2048x128xf32, #tpu.memory_space<vmem>>, vector<2048x128xf32>
      tpu.vector_store %arg4[%swap3A_37, %swap3A_38], %convert_element_type3A_36 {strides = array<i32>} : memref<2048x128xf32, #tpu.memory_space<vmem>>, vector<2048x128xf32>,
      %reduce_sum3A_40 = arith.constant dense<0.000000e+00> : vector<128xf32>
      %reduce_sum3A_41 = vector.multi_reduction <add>, %convert_element_type3A_36, %reduce_sum3A_40 [0] : vector<2048x128xf32> to vector<128xf32>
      %broadcast_in_dim3A_42 = vector.shape_cast %reduce_sum3A_41 : vector<128xf32> to vector<1x128xf32>
      %iota3A_43 = tpu.iota {dimensions = array<i32: 0>} : vector<128x128xi32>
      %iota3A_44 = tpu.iota {dimensions = array<i32: 1>} : vector<128x128xi32>
      %lt3A = arith.cmpi slt, %iota3A_43, %iota3A_44 : vector<128x128xi32>
      %convert_element_type3A_45 = arith.extui %lt3A : vector<128x128xi1> to vector<128x128xi32>
      %convert_element_type3A_46 = arith.sitofp %convert_element_type3A_45 : vector<128x128xi32> to vector<128x128xf32>
      %dot_general3A_47 = arith.constant dense<0.000000e+00> : vector<1x128xf32>
      %dot_general3A_48 = tpu.matmul %broadcast_in_dim3A_42, %convert_element_type3A_46, %dot_general3A_47 {dimension_numbers = #tpu.dot_dimension_numbers<[1], [0], [0], [1], [0, 0, 1, 1], [], []>, transpose_lhs_hint = false} : vector<1x128xf32>, vector<128x128xf32>, vector<1x128xf32> -> vector<1x128xf32>
      %convert_element_type3A_49 = arith.fptosi %dot_general3A_48 : vector<1x128xf32> to vector<1x128xi32>
      %swap3A_50 = arith.constant 0 : index
      %swap3A_51 = arith.constant 0 : index
      %swap3A_52 = vector.load %arg3[%swap3A_50, %swap3A_51] : memref<1x128xi32, #tpu.memory_space<vmem>>, vector<1x128xi32>
      tpu.vector_store %arg3[%swap3A_50, %swap3A_51], %convert_element_type3A_49 {strides = array<i32>} : memref<1x128xi32, #tpu.memory_space<vmem>>, vector<1x128xi32>,
      %broadcast_in_dim3A_53 = arith.constant 0.000000e+00 : f32
      %broadcast_in_dim3A_54 = vector.broadcast %broadcast_in_dim3A_53 : f32 to vector<1x128xf32>
      %swap3A_55 = arith.constant 0 : index
      %swap3A_56 = arith.constant 0 : index
      %swap3A_57 = vector.load %arg5[%swap3A_55, %swap3A_56] : memref<1x128xf32, #tpu.memory_space<vmem>>, vector<1x128xf32>
      tpu.vector_store %arg5[%swap3A_55, %swap3A_56], %broadcast_in_dim3A_54 {strides = array<i32>} : memref<1x128xf32, #tpu.memory_space<vmem>>, vector<1x128xf32>,
    } else {
    }
    %mul3A = arith.constant 128 : i32
    %mul3A_2 = arith.muli %arg0, %mul3A : i32
    %get3A = arith.index_cast %mul3A_2 : i32 to index
    %get3A_3 = arith.constant 0 : index
    %get3A_4 = vector.load %arg4[%get3A, %get3A_3] : memref<2048x128xf32, #tpu.memory_space<vmem>>, vector<128x128xf32>
    %iota3A = tpu.iota {dimensions = array<i32: 0>} : vector<128x128xi32>
    %iota3A_5 = tpu.iota {dimensions = array<i32: 1>} : vector<128x128xi32>
    %le3A = arith.cmpi sle, %iota3A_5, %iota3A : vector<128x128xi32>
    %convert_element_type3A_6 = arith.extui %le3A : vector<128x128xi1> to vector<128x128xi32>
    %convert_element_type3A_7 = arith.sitofp %convert_element_type3A_6 : vector<128x128xi32> to vector<128x128xf32>
    %dot_general3A = arith.constant dense<0.000000e+00> : vector<128x128xf32>
    %dot_general3A_8 = tpu.matmul %convert_element_type3A_7, %get3A_4, %dot_general3A {dimension_numbers = #tpu.dot_dimension_numbers<[1], [0], [0], [1], [0, 0, 1, 1], [], []>, transpose_lhs_hint = false} : vector<128x128xf32>, vector<128x128xf32>, vector<128x128xf32> -> vector<128x128xf32>
    %get3A_9 = arith.constant 0 : index
    %get3A_10 = arith.constant 0 : index
    %get3A_11 = vector.load %arg5[%get3A_9, %get3A_10] : memref<1x128xf32, #tpu.memory_space<vmem>>, vector<1x128xf32>
    %add3A = vector.broadcast %get3A_11 : vector<1x128xf32> to vector<128x128xf32>
    %add3A_12 = arith.addf %dot_general3A_8, %add3A : vector<128x128xf32>
    %slice3A = vector.extract_strided_slice %add3A_12 {offsets = [127, 0], sizes = [1, 128], strides = [1, 1]} : vector<128x128xf32> to vector<1x128xf32>
    %swap3A = arith.constant 0 : index
    %swap3A_13 = arith.constant 0 : index
    %swap3A_14 = vector.load %arg5[%swap3A, %swap3A_13] : memref<1x128xf32, #tpu.memory_space<vmem>>, vector<1x128xf32>
    tpu.vector_store %arg5[%swap3A, %swap3A_13], %slice3A {strides = array<i32>} : memref<1x128xf32, #tpu.memory_space<vmem>>, vector<1x128xf32>,
    %get3A_15 = arith.constant 0 : index
    %get3A_16 = arith.constant 0 : index
    %get3A_17 = vector.load %arg3[%get3A_15, %get3A_16] : memref<1x128xi32, #tpu.memory_space<vmem>>, vector<1x128xi32>
    %convert_element_type3A_18 = arith.sitofp %get3A_17 : vector<1x128xi32> to vector<1x128xf32>
    %add3A_19 = vector.broadcast %convert_element_type3A_18 : vector<1x128xf32> to vector<128x128xf32>
    %add3A_20 = arith.addf %add3A_19, %add3A_12 : vector<128x128xf32>
    %sub3A = arith.constant 1.000000e+00 : f32
    %sub3A_21 = vector.broadcast %sub3A : f32 to vector<128x128xf32>
    %sub3A_22 = arith.subf %add3A_20, %sub3A_21 : vector<128x128xf32>
    %mul3A_23 = arith.mulf %get3A_4, %sub3A_22 : vector<128x128xf32>
    %reduce_sum3A = arith.constant dense<0.000000e+00> : vector<128xf32>
    %reduce_sum3A_24 = vector.multi_reduction <add>, %mul3A_23, %reduce_sum3A [1] : vector<128x128xf32> to vector<128xf32>
    %broadcast_in_dim3A = vector.shape_cast %reduce_sum3A_24 : vector<128xf32> to vector<128x1xf32>
    %convert_element_type3A_25 = arith.fptosi %broadcast_in_dim3A : vector<128x1xf32> to vector<128x1xi32>
    %swap3A_26 = arith.index_cast %mul3A_2 : i32 to index
    %swap3A_27 = arith.constant 0 : index
    %swap3A_28 = vector.load %arg2[%swap3A_26, %swap3A_27] : memref<2048x1xi32, #tpu.memory_space<vmem>>, vector<128x1xi32>
    tpu.vector_store %arg2[%swap3A_26, %swap3A_27], %convert_element_type3A_25 {strides = array<i32>} : memref<2048x1xi32, #tpu.memory_space<vmem>>, vector<128x1xi32>,
    return
  }
  func.func @transform_0(%arg0: i32) -> (i32, i32) {
    %c0_i32 = arith.constant 0 : i32
    %c0_i32_0 = arith.constant 0 : i32
    %c0_i32_1 = arith.constant 0 : i32
    return %c0_i32, %c0_i32_0 : i32, i32
  }
  func.func @transform_1(%arg0: i32) -> (i32, i32) {
    %c0_i32 = arith.constant 0 : i32
    %c0_i32_0 = arith.constant 0 : i32
    %c0_i32_1 = arith.constant 0 : i32
    return %c0_i32, %c0_i32_0 : i32, i32
  }
  func.func @transform_2(%arg0: i32) -> (i32, i32) {
    %c0_i32 = arith.constant 0 : i32
    %c0_i32_0 = arith.constant 0 : i32
    %c0_i32_1 = arith.constant 0 : i32
    return %c0_i32, %c0_i32_0 : i32, i32
  }
}

module attributes {stable_mosaic.version = 14 : i64} {
  func.func @_mlp_body(%arg0: i32, %arg1: i32, %arg2: memref<128xi32, #tpu.memory_space<smem>>, %arg3: memref<2048x1024xbf16, #tpu.memory_space<vmem>>, %arg4: memref<1x1024x2048xf32, #tpu.memory_space<vmem>>, %arg5: memref<1x1x2048xf32, #tpu.memory_space<vmem>>, %arg6: memref<1x2048x1024xf32, #tpu.memory_space<vmem>>, %arg7: memref<1x1x1024xf32, #tpu.memory_space<vmem>>, %arg8: memref<2048x1024xf32, #tpu.memory_space<vmem>>) attributes {dimension_semantics = [#tpu.dimension_semantics<arbitrary>, #tpu.dimension_semantics<arbitrary>], iteration_bounds = array<i64: 16, 2>, scalar_prefetch = 0 : i64, scratch_operands = 0 : i64, tpu.core_type = #tpu.core_type<tc>, window_params = [{transform_indices = @transform_0, window_bounds = array<i64: 128>}, {pipeline_mode = #tpu.pipeline_mode<synchronous>, transform_indices = @transform_1, window_bounds = array<i64: 2048, 1024>}, {transform_indices = @transform_2, window_bounds = array<i64: 1, 1024, 2048>}, {transform_indices = @transform_3, window_bounds = array<i64: 1, 1, 2048>}, {transform_indices = @transform_4, window_bounds = array<i64: 1, 2048, 1024>}, {transform_indices = @transform_5, window_bounds = array<i64: 1, 1, 1024>}, {pipeline_mode = #tpu.pipeline_mode<synchronous>, transform_indices = @transform_6, window_bounds = array<i64: 2048, 1024>}]} {
    %get3A = arith.index_cast %arg0 : i32 to index
    %get3A_0 = memref.load %arg2[%get3A] : memref<128xi32, #tpu.memory_space<smem>>
    %add3A = arith.constant 1 : i32
    %add3A_1 = arith.addi %arg0, %add3A : i32
    %get3A_2 = arith.index_cast %add3A_1 : i32 to index
    %get3A_3 = memref.load %arg2[%get3A_2] : memref<128xi32, #tpu.memory_space<smem>>
    %sub3A = arith.subi %get3A_3, %get3A_0 : i32
    %add3A_4 = arith.constant 7 : i32
    %add3A_5 = arith.addi %sub3A, %add3A_4 : i32
    %add3A_6 = arith.constant 128 : i32
    %add3A_7 = arith.addi %add3A_5, %add3A_6 : i32
    %sub3A_8 = arith.constant 1 : i32
    %sub3A_9 = arith.subi %add3A_7, %sub3A_8 : i32
    %div3A = arith.constant 128 : i32
    %div3A_10 = arith.divsi %sub3A_9, %div3A : i32
    %get3A_11 = arith.constant 0 : index
    %get3A_12 = arith.constant 0 : index
    %get3A_13 = arith.constant 0 : index
    %get3A_14 = vector.load %arg4[%get3A_11, %get3A_12, %get3A_13] : memref<1x1024x2048xf32, #tpu.memory_space<vmem>>, vector<1x1024x2048xf32>
    %get3A_15 = vector.shape_cast %get3A_14 : vector<1x1024x2048xf32> to vector<1024x2048xf32>
    %convert_element_type3A = arith.truncf %get3A_15 : vector<1024x2048xf32> to vector<1024x2048xbf16>
    %get3A_16 = arith.constant 0 : index
    %get3A_17 = arith.constant 0 : index
    %get3A_18 = arith.constant 0 : index
    %get3A_19 = vector.load %arg5[%get3A_16, %get3A_17, %get3A_18] : memref<1x1x2048xf32, #tpu.memory_space<vmem>>, vector<1x1x2048xf32>
    %get3A_20 = vector.shape_cast %get3A_19 : vector<1x1x2048xf32> to vector<1x2048xf32>
    %get3A_21 = arith.constant 0 : index
    %get3A_22 = arith.constant 0 : index
    %get3A_23 = arith.constant 0 : index
    %get3A_24 = vector.load %arg6[%get3A_21, %get3A_22, %get3A_23] : memref<1x2048x1024xf32, #tpu.memory_space<vmem>>, vector<1x2048x1024xf32>
    %get3A_25 = vector.shape_cast %get3A_24 : vector<1x2048x1024xf32> to vector<2048x1024xf32>
    %convert_element_type3A_26 = arith.truncf %get3A_25 : vector<2048x1024xf32> to vector<2048x1024xbf16>
    %get3A_27 = arith.constant 0 : index
    %get3A_28 = arith.constant 0 : index
    %get3A_29 = arith.constant 0 : index
    %get3A_30 = vector.load %arg7[%get3A_27, %get3A_28, %get3A_29] : memref<1x1x1024xf32, #tpu.memory_space<vmem>>, vector<1x1x1024xf32>
    %get3A_31 = vector.shape_cast %get3A_30 : vector<1x1x1024xf32> to vector<1x1024xf32>
    %while3A = arith.constant 0 : i32
    %while3A_32 = arith.constant 0 : i32
    %while3A_33 = arith.subi %div3A_10, %while3A_32 : i32
    %while3A_34 = arith.addi %while3A_32, %while3A_33 : i32
    %while3A_35 = arith.constant 1 : i32
    %while3A_36 = arith.divsi %while3A_33, %while3A_35 : i32
    %while3A_37 = arith.muli %while3A_36, %while3A_35 : i32
    %while3A_38 = arith.addi %while3A_32, %while3A_37 : i32
    %while3A_39 = arith.constant 1 : i32
    scf.for %while3A_41 = %while3A_32 to %while3A_38 step %while3A_39  : i32 {
      %mul3A = arith.constant 128 : i32
      %mul3A_42 = arith.muli %while3A_41, %mul3A : i32
      %add3A_43 = arith.addi %get3A_0, %mul3A_42 : i32
      %min3A = arith.constant 1920 : i32
      %min3A_44 = arith.minsi %add3A_43, %min3A : i32
      %jit3A = arith.constant 8 : i32
      %div3A_45 = arith.divsi %min3A_44, %jit3A : i32
      %sign3A = arith.constant 0 : i32
      %sign3A_46 = arith.cmpi sgt, %min3A_44, %sign3A : i32
      %sign3A_47 = arith.extui %sign3A_46 : i1 to i32
      %sign3A_48 = arith.constant 0 : i32
      %sign3A_49 = arith.cmpi slt, %min3A_44, %sign3A_48 : i32
      %sign3A_50 = arith.extui %sign3A_49 : i1 to i32
      %sign3A_51 = arith.subi %sign3A_47, %sign3A_50 : i32
      %sign3A_52 = arith.constant 0 : i32
      %sign3A_53 = arith.cmpi sgt, %jit3A, %sign3A_52 : i32
      %sign3A_54 = arith.extui %sign3A_53 : i1 to i32
      %sign3A_55 = arith.constant 0 : i32
      %sign3A_56 = arith.cmpi slt, %jit3A, %sign3A_55 : i32
      %sign3A_57 = arith.extui %sign3A_56 : i1 to i32
      %sign3A_58 = arith.subi %sign3A_54, %sign3A_57 : i32
      %ne3A = arith.cmpi ne, %sign3A_51, %sign3A_58 : i32
      %rem3A = arith.remsi %min3A_44, %jit3A : i32
      %ne3A_59 = arith.constant 0 : i32
      %ne3A_60 = arith.cmpi ne, %rem3A, %ne3A_59 : i32
      %and3A = arith.andi %ne3A, %ne3A_60 : i1
      %sub3A_61 = arith.constant 1 : i32
      %sub3A_62 = arith.subi %div3A_45, %sub3A_61 : i32
      %select_n3A = arith.select %and3A, %sub3A_62, %div3A_45 : i32
      %mul3A_63 = arith.constant 8 : i32
      %mul3A_64 = arith.muli %select_n3A, %mul3A_63 : i32
      %multiple_of3A = tpu.assume_multiple %mul3A_64, 8 : i32
      %sub3A_65 = arith.constant 1 : i32
      %sub3A_66 = arith.subi %while3A_41, %sub3A_65 : i32
      %mul3A_67 = arith.constant 128 : i32
      %mul3A_68 = arith.muli %sub3A_66, %mul3A_67 : i32
      %add3A_69 = arith.addi %get3A_0, %mul3A_68 : i32
      %min3A_70 = arith.constant 1920 : i32
      %min3A_71 = arith.minsi %add3A_69, %min3A_70 : i32
      %jit3A_72 = arith.constant 8 : i32
      %div3A_73 = arith.divsi %min3A_71, %jit3A_72 : i32
      %sign3A_74 = arith.constant 0 : i32
      %sign3A_75 = arith.cmpi sgt, %min3A_71, %sign3A_74 : i32
      %sign3A_76 = arith.extui %sign3A_75 : i1 to i32
      %sign3A_77 = arith.constant 0 : i32
      %sign3A_78 = arith.cmpi slt, %min3A_71, %sign3A_77 : i32
      %sign3A_79 = arith.extui %sign3A_78 : i1 to i32
      %sign3A_80 = arith.subi %sign3A_76, %sign3A_79 : i32
      %sign3A_81 = arith.constant 0 : i32
      %sign3A_82 = arith.cmpi sgt, %jit3A_72, %sign3A_81 : i32
      %sign3A_83 = arith.extui %sign3A_82 : i1 to i32
      %sign3A_84 = arith.constant 0 : i32
      %sign3A_85 = arith.cmpi slt, %jit3A_72, %sign3A_84 : i32
      %sign3A_86 = arith.extui %sign3A_85 : i1 to i32
      %sign3A_87 = arith.subi %sign3A_83, %sign3A_86 : i32
      %ne3A_88 = arith.cmpi ne, %sign3A_80, %sign3A_87 : i32
      %rem3A_89 = arith.remsi %min3A_71, %jit3A_72 : i32
      %ne3A_90 = arith.constant 0 : i32
      %ne3A_91 = arith.cmpi ne, %rem3A_89, %ne3A_90 : i32
      %and3A_92 = arith.andi %ne3A_88, %ne3A_91 : i1
      %sub3A_93 = arith.constant 1 : i32
      %sub3A_94 = arith.subi %div3A_73, %sub3A_93 : i32
      %select_n3A_95 = arith.select %and3A_92, %sub3A_94, %div3A_73 : i32
      %mul3A_96 = arith.constant 8 : i32
      %mul3A_97 = arith.muli %select_n3A_95, %mul3A_96 : i32
      %multiple_of3A_98 = tpu.assume_multiple %mul3A_97, 8 : i32
      %add3A_99 = arith.constant 128 : i32
      %add3A_100 = arith.addi %multiple_of3A_98, %add3A_99 : i32
      %eq3A = arith.constant 0 : i32
      %eq3A_101 = arith.cmpi eq, %while3A_41, %eq3A : i32
      %add3A_102 = arith.constant 128 : i32
      %add3A_103 = arith.addi %multiple_of3A, %add3A_102 : i32
      %gt3A = arith.cmpi sgt, %add3A_103, %add3A_100 : i32
      %or3A = arith.ori %eq3A_101, %gt3A : i1
      %convert_element_type3A_104 = arith.extui %or3A : i1 to i32
      %cond3A = arith.constant 0 : i32
      %cond3A_105 = arith.cmpi ne, %convert_element_type3A_104, %cond3A : i32
      scf.if %cond3A_105 {
        %get3A_106 = arith.index_cast %multiple_of3A : i32 to index
        %get3A_107 = arith.constant 0 : index
        %get3A_108 = vector.load %arg3[%get3A_106, %get3A_107] : memref<2048x1024xbf16, #tpu.memory_space<vmem>>, vector<128x1024xbf16>
        %dot_general3A = arith.constant dense<0.000000e+00> : vector<128x2048xf32>
        %dot_general3A_109 = tpu.matmul %get3A_108, %convert_element_type3A, %dot_general3A {dimension_numbers = #tpu.dot_dimension_numbers<[1], [0], [0], [1], [0, 0, 1, 1], [], []>, transpose_lhs_hint = false} : vector<128x1024xbf16>, vector<1024x2048xbf16>, vector<128x2048xf32> -> vector<128x2048xf32>
        %add3A_110 = vector.broadcast %get3A_20 : vector<1x2048xf32> to vector<128x2048xf32>
        %add3A_111 = arith.addf %dot_general3A_109, %add3A_110 : vector<128x2048xf32>
        %max3A = arith.constant 0.000000e+00 : f32
        %max3A_112 = vector.broadcast %max3A : f32 to vector<128x2048xf32>
        %max3A_113 = arith.maximumf %add3A_111, %max3A_112 : vector<128x2048xf32>
        %convert_element_type3A_114 = arith.truncf %max3A_113 : vector<128x2048xf32> to vector<128x2048xbf16>
        %dot_general3A_115 = arith.constant dense<0.000000e+00> : vector<128x1024xf32>
        %dot_general3A_116 = tpu.matmul %convert_element_type3A_114, %convert_element_type3A_26, %dot_general3A_115 {dimension_numbers = #tpu.dot_dimension_numbers<[1], [0], [0], [1], [0, 0, 1, 1], [], []>, transpose_lhs_hint = false} : vector<128x2048xbf16>, vector<2048x1024xbf16>, vector<128x1024xf32> -> vector<128x1024xf32>
        %iota3A = tpu.iota {dimensions = array<i32: 0>} : vector<128x1xi32>
        %add3A_117 = vector.broadcast %multiple_of3A : i32 to vector<128x1xi32>
        %add3A_118 = arith.addi %add3A_117, %iota3A : vector<128x1xi32>
        %ge3A = vector.broadcast %get3A_0 : i32 to vector<128x1xi32>
        %ge3A_119 = arith.cmpi sge, %add3A_118, %ge3A : vector<128x1xi32>
        %lt3A = vector.broadcast %get3A_3 : i32 to vector<128x1xi32>
        %lt3A_120 = arith.cmpi slt, %add3A_118, %lt3A : vector<128x1xi32>
        %and3A_121 = arith.andi %ge3A_119, %lt3A_120 : vector<128x1xi1>
        %eq3A_122 = arith.constant 0 : i32
        %eq3A_123 = arith.cmpi eq, %while3A_41, %eq3A_122 : i32
        %ge3A_124 = vector.broadcast %add3A_100 : i32 to vector<128x1xi32>
        %ge3A_125 = arith.cmpi sge, %add3A_118, %ge3A_124 : vector<128x1xi32>
        %or3A_126 = vector.broadcast %eq3A_123 : i1 to vector<128x1xi1>
        %or3A_127 = arith.ori %or3A_126, %ge3A_125 : vector<128x1xi1>
        %and3A_128 = arith.andi %and3A_121, %or3A_127 : vector<128x1xi1>
        %get3A_129 = arith.index_cast %multiple_of3A : i32 to index
        %get3A_130 = arith.constant 0 : index
        %get3A_131 = vector.load %arg8[%get3A_129, %get3A_130] : memref<2048x1024xf32, #tpu.memory_space<vmem>>, vector<128x1024xf32>
        %eq3A_132 = arith.constant 0 : i32
        %eq3A_133 = arith.cmpi eq, %arg1, %eq3A_132 : i32
        %add3A_134 = vector.broadcast %get3A_31 : vector<1x1024xf32> to vector<128x1024xf32>
        %add3A_135 = arith.addf %dot_general3A_116, %add3A_134 : vector<128x1024xf32>
        %add3A_136 = arith.addf %get3A_131, %dot_general3A_116 : vector<128x1024xf32>
        %select_n3A_137 = arith.select %eq3A_133, %add3A_135, %add3A_136 : vector<128x1024xf32>
        %broadcast_in_dim3A = vector.shape_cast %and3A_128 : vector<128x1xi1> to vector<128x1xi1>
        %broadcast_in_dim3A_138 = vector.broadcast %broadcast_in_dim3A : vector<128x1xi1> to vector<128x1024xi1>
        %select_n3A_139 = arith.select %broadcast_in_dim3A_138, %select_n3A_137, %get3A_131 : vector<128x1024xi1>, vector<128x1024xf32>
        %swap3A = arith.index_cast %multiple_of3A : i32 to index
        %swap3A_140 = arith.constant 0 : index
        %swap3A_141 = vector.load %arg8[%swap3A, %swap3A_140] : memref<2048x1024xf32, #tpu.memory_space<vmem>>, vector<128x1024xf32>
        tpu.vector_store %arg8[%swap3A, %swap3A_140], %select_n3A_139 {strides = array<i32>} : memref<2048x1024xf32, #tpu.memory_space<vmem>>, vector<128x1024xf32>,
      } else {
      }
    }
    %while3A_40 = arith.constant 1 : i32
    scf.for %while3A_41 = %while3A_38 to %while3A_34 step %while3A_40  : i32 {
      %mul3A = arith.constant 128 : i32
      %mul3A_42 = arith.muli %while3A_41, %mul3A : i32
      %add3A_43 = arith.addi %get3A_0, %mul3A_42 : i32
      %min3A = arith.constant 1920 : i32
      %min3A_44 = arith.minsi %add3A_43, %min3A : i32
      %jit3A = arith.constant 8 : i32
      %div3A_45 = arith.divsi %min3A_44, %jit3A : i32
      %sign3A = arith.constant 0 : i32
      %sign3A_46 = arith.cmpi sgt, %min3A_44, %sign3A : i32
      %sign3A_47 = arith.extui %sign3A_46 : i1 to i32
      %sign3A_48 = arith.constant 0 : i32
      %sign3A_49 = arith.cmpi slt, %min3A_44, %sign3A_48 : i32
      %sign3A_50 = arith.extui %sign3A_49 : i1 to i32
      %sign3A_51 = arith.subi %sign3A_47, %sign3A_50 : i32
      %sign3A_52 = arith.constant 0 : i32
      %sign3A_53 = arith.cmpi sgt, %jit3A, %sign3A_52 : i32
      %sign3A_54 = arith.extui %sign3A_53 : i1 to i32
      %sign3A_55 = arith.constant 0 : i32
      %sign3A_56 = arith.cmpi slt, %jit3A, %sign3A_55 : i32
      %sign3A_57 = arith.extui %sign3A_56 : i1 to i32
      %sign3A_58 = arith.subi %sign3A_54, %sign3A_57 : i32
      %ne3A = arith.cmpi ne, %sign3A_51, %sign3A_58 : i32
      %rem3A = arith.remsi %min3A_44, %jit3A : i32
      %ne3A_59 = arith.constant 0 : i32
      %ne3A_60 = arith.cmpi ne, %rem3A, %ne3A_59 : i32
      %and3A = arith.andi %ne3A, %ne3A_60 : i1
      %sub3A_61 = arith.constant 1 : i32
      %sub3A_62 = arith.subi %div3A_45, %sub3A_61 : i32
      %select_n3A = arith.select %and3A, %sub3A_62, %div3A_45 : i32
      %mul3A_63 = arith.constant 8 : i32
      %mul3A_64 = arith.muli %select_n3A, %mul3A_63 : i32
      %multiple_of3A = tpu.assume_multiple %mul3A_64, 8 : i32
      %sub3A_65 = arith.constant 1 : i32
      %sub3A_66 = arith.subi %while3A_41, %sub3A_65 : i32
      %mul3A_67 = arith.constant 128 : i32
      %mul3A_68 = arith.muli %sub3A_66, %mul3A_67 : i32
      %add3A_69 = arith.addi %get3A_0, %mul3A_68 : i32
      %min3A_70 = arith.constant 1920 : i32
      %min3A_71 = arith.minsi %add3A_69, %min3A_70 : i32
      %jit3A_72 = arith.constant 8 : i32
      %div3A_73 = arith.divsi %min3A_71, %jit3A_72 : i32
      %sign3A_74 = arith.constant 0 : i32
      %sign3A_75 = arith.cmpi sgt, %min3A_71, %sign3A_74 : i32
      %sign3A_76 = arith.extui %sign3A_75 : i1 to i32
      %sign3A_77 = arith.constant 0 : i32
      %sign3A_78 = arith.cmpi slt, %min3A_71, %sign3A_77 : i32
      %sign3A_79 = arith.extui %sign3A_78 : i1 to i32
      %sign3A_80 = arith.subi %sign3A_76, %sign3A_79 : i32
      %sign3A_81 = arith.constant 0 : i32
      %sign3A_82 = arith.cmpi sgt, %jit3A_72, %sign3A_81 : i32
      %sign3A_83 = arith.extui %sign3A_82 : i1 to i32
      %sign3A_84 = arith.constant 0 : i32
      %sign3A_85 = arith.cmpi slt, %jit3A_72, %sign3A_84 : i32
      %sign3A_86 = arith.extui %sign3A_85 : i1 to i32
      %sign3A_87 = arith.subi %sign3A_83, %sign3A_86 : i32
      %ne3A_88 = arith.cmpi ne, %sign3A_80, %sign3A_87 : i32
      %rem3A_89 = arith.remsi %min3A_71, %jit3A_72 : i32
      %ne3A_90 = arith.constant 0 : i32
      %ne3A_91 = arith.cmpi ne, %rem3A_89, %ne3A_90 : i32
      %and3A_92 = arith.andi %ne3A_88, %ne3A_91 : i1
      %sub3A_93 = arith.constant 1 : i32
      %sub3A_94 = arith.subi %div3A_73, %sub3A_93 : i32
      %select_n3A_95 = arith.select %and3A_92, %sub3A_94, %div3A_73 : i32
      %mul3A_96 = arith.constant 8 : i32
      %mul3A_97 = arith.muli %select_n3A_95, %mul3A_96 : i32
      %multiple_of3A_98 = tpu.assume_multiple %mul3A_97, 8 : i32
      %add3A_99 = arith.constant 128 : i32
      %add3A_100 = arith.addi %multiple_of3A_98, %add3A_99 : i32
      %eq3A = arith.constant 0 : i32
      %eq3A_101 = arith.cmpi eq, %while3A_41, %eq3A : i32
      %add3A_102 = arith.constant 128 : i32
      %add3A_103 = arith.addi %multiple_of3A, %add3A_102 : i32
      %gt3A = arith.cmpi sgt, %add3A_103, %add3A_100 : i32
      %or3A = arith.ori %eq3A_101, %gt3A : i1
      %convert_element_type3A_104 = arith.extui %or3A : i1 to i32
      %cond3A = arith.constant 0 : i32
      %cond3A_105 = arith.cmpi ne, %convert_element_type3A_104, %cond3A : i32
      scf.if %cond3A_105 {
        %get3A_106 = arith.index_cast %multiple_of3A : i32 to index
        %get3A_107 = arith.constant 0 : index
        %get3A_108 = vector.load %arg3[%get3A_106, %get3A_107] : memref<2048x1024xbf16, #tpu.memory_space<vmem>>, vector<128x1024xbf16>
        %dot_general3A = arith.constant dense<0.000000e+00> : vector<128x2048xf32>
        %dot_general3A_109 = tpu.matmul %get3A_108, %convert_element_type3A, %dot_general3A {dimension_numbers = #tpu.dot_dimension_numbers<[1], [0], [0], [1], [0, 0, 1, 1], [], []>, transpose_lhs_hint = false} : vector<128x1024xbf16>, vector<1024x2048xbf16>, vector<128x2048xf32> -> vector<128x2048xf32>
        %add3A_110 = vector.broadcast %get3A_20 : vector<1x2048xf32> to vector<128x2048xf32>
        %add3A_111 = arith.addf %dot_general3A_109, %add3A_110 : vector<128x2048xf32>
        %max3A = arith.constant 0.000000e+00 : f32
        %max3A_112 = vector.broadcast %max3A : f32 to vector<128x2048xf32>
        %max3A_113 = arith.maximumf %add3A_111, %max3A_112 : vector<128x2048xf32>
        %convert_element_type3A_114 = arith.truncf %max3A_113 : vector<128x2048xf32> to vector<128x2048xbf16>
        %dot_general3A_115 = arith.constant dense<0.000000e+00> : vector<128x1024xf32>
        %dot_general3A_116 = tpu.matmul %convert_element_type3A_114, %convert_element_type3A_26, %dot_general3A_115 {dimension_numbers = #tpu.dot_dimension_numbers<[1], [0], [0], [1], [0, 0, 1, 1], [], []>, transpose_lhs_hint = false} : vector<128x2048xbf16>, vector<2048x1024xbf16>, vector<128x1024xf32> -> vector<128x1024xf32>
        %iota3A = tpu.iota {dimensions = array<i32: 0>} : vector<128x1xi32>
        %add3A_117 = vector.broadcast %multiple_of3A : i32 to vector<128x1xi32>
        %add3A_118 = arith.addi %add3A_117, %iota3A : vector<128x1xi32>
        %ge3A = vector.broadcast %get3A_0 : i32 to vector<128x1xi32>
        %ge3A_119 = arith.cmpi sge, %add3A_118, %ge3A : vector<128x1xi32>
        %lt3A = vector.broadcast %get3A_3 : i32 to vector<128x1xi32>
        %lt3A_120 = arith.cmpi slt, %add3A_118, %lt3A : vector<128x1xi32>
        %and3A_121 = arith.andi %ge3A_119, %lt3A_120 : vector<128x1xi1>
        %eq3A_122 = arith.constant 0 : i32
        %eq3A_123 = arith.cmpi eq, %while3A_41, %eq3A_122 : i32
        %ge3A_124 = vector.broadcast %add3A_100 : i32 to vector<128x1xi32>
        %ge3A_125 = arith.cmpi sge, %add3A_118, %ge3A_124 : vector<128x1xi32>
        %or3A_126 = vector.broadcast %eq3A_123 : i1 to vector<128x1xi1>
        %or3A_127 = arith.ori %or3A_126, %ge3A_125 : vector<128x1xi1>
        %and3A_128 = arith.andi %and3A_121, %or3A_127 : vector<128x1xi1>
        %get3A_129 = arith.index_cast %multiple_of3A : i32 to index
        %get3A_130 = arith.constant 0 : index
        %get3A_131 = vector.load %arg8[%get3A_129, %get3A_130] : memref<2048x1024xf32, #tpu.memory_space<vmem>>, vector<128x1024xf32>
        %eq3A_132 = arith.constant 0 : i32
        %eq3A_133 = arith.cmpi eq, %arg1, %eq3A_132 : i32
        %add3A_134 = vector.broadcast %get3A_31 : vector<1x1024xf32> to vector<128x1024xf32>
        %add3A_135 = arith.addf %dot_general3A_116, %add3A_134 : vector<128x1024xf32>
        %add3A_136 = arith.addf %get3A_131, %dot_general3A_116 : vector<128x1024xf32>
        %select_n3A_137 = arith.select %eq3A_133, %add3A_135, %add3A_136 : vector<128x1024xf32>
        %broadcast_in_dim3A = vector.shape_cast %and3A_128 : vector<128x1xi1> to vector<128x1xi1>
        %broadcast_in_dim3A_138 = vector.broadcast %broadcast_in_dim3A : vector<128x1xi1> to vector<128x1024xi1>
        %select_n3A_139 = arith.select %broadcast_in_dim3A_138, %select_n3A_137, %get3A_131 : vector<128x1024xi1>, vector<128x1024xf32>
        %swap3A = arith.index_cast %multiple_of3A : i32 to index
        %swap3A_140 = arith.constant 0 : index
        %swap3A_141 = vector.load %arg8[%swap3A, %swap3A_140] : memref<2048x1024xf32, #tpu.memory_space<vmem>>, vector<128x1024xf32>
        tpu.vector_store %arg8[%swap3A, %swap3A_140], %select_n3A_139 {strides = array<i32>} : memref<2048x1024xf32, #tpu.memory_space<vmem>>, vector<128x1024xf32>,
      } else {
      }
    }
    return
  }
  func.func @transform_0(%arg0: i32, %arg1: i32) -> i32 {
    %c0_i32 = arith.constant 0 : i32
    %c0_i32_0 = arith.constant 0 : i32
    return %c0_i32 : i32
  }
  func.func @transform_1(%arg0: i32, %arg1: i32) -> (i32, i32) {
    %c0_i32 = arith.constant 0 : i32
    %c0_i32_0 = arith.constant 0 : i32
    %c0_i32_1 = arith.constant 0 : i32
    return %c0_i32, %c0_i32_0 : i32, i32
  }
  func.func @transform_2(%arg0: i32, %arg1: i32) -> (i32, i32, i32) {
    %c0_i32 = arith.constant 0 : i32
    %c0_i32_0 = arith.constant 0 : i32
    return %arg0, %c0_i32, %arg1 : i32, i32, i32
  }
  func.func @transform_3(%arg0: i32, %arg1: i32) -> (i32, i32, i32) {
    %c0_i32 = arith.constant 0 : i32
    %c0_i32_0 = arith.constant 0 : i32
    return %arg0, %c0_i32, %arg1 : i32, i32, i32
  }
  func.func @transform_4(%arg0: i32, %arg1: i32) -> (i32, i32, i32) {
    %c0_i32 = arith.constant 0 : i32
    %c0_i32_0 = arith.constant 0 : i32
    return %arg0, %arg1, %c0_i32 : i32, i32, i32
  }
  func.func @transform_5(%arg0: i32, %arg1: i32) -> (i32, i32, i32) {
    %c0_i32 = arith.constant 0 : i32
    %c0_i32_0 = arith.constant 0 : i32
    %c0_i32_1 = arith.constant 0 : i32
    return %arg0, %c0_i32, %c0_i32_0 : i32, i32, i32
  }
  func.func @transform_6(%arg0: i32, %arg1: i32) -> (i32, i32) {
    %c0_i32 = arith.constant 0 : i32
    %c0_i32_0 = arith.constant 0 : i32
    %c0_i32_1 = arith.constant 0 : i32
    return %c0_i32, %c0_i32_0 : i32, i32
  }
}

</mosaic_0001>

<sc_bundles>
// kernel: kernel.6.cloned.1.call-start
scs
__scs_entry_jumppad:
0x0: {  	(pc) =	sbr.rel $0x88, $3  }
0x1: {  	(tag) =	ssettag $0x0;
	lr =	simm.s32 $0x1  }
0x2: {  	[smem:$0x3F9B] =	sst lr;
	_ =	strace $0xD0000000  }
0x3: {  	_ = 	snop  }
0x4: {  	_ = 	snop  }
0x5: {  	_ = 	snop  }
0x6: {  	_ = 	snop  }
0x7: {  	_ = 	snop  }
__scs_overlays_trampoline_lowered:
0x8: {  	[smem:$0x3FAA] =	sst s0  }
0x9: {  	[smem:$0x3FAB] =	sst s1  }
0xa: {  	[smem:$0x3FAC] =	sst s2  }
0xb: {  	[smem:$0x3FAD] =	sst s3  }
0xc: {  	[smem:$0x3FAE] =	sst s4  }
0xd: {  	[smem:$0x3FAF] =	sst s5  }
0xe: {  	[smem:$0x3FB0] =	sst s6  }
0xf: {  	[smem:$0x3FB1] =	sst s7  }
0x10: {  	[smem:$0x3FB2] =	sst s8  }
0x11: {  	[smem:$0x3FB3] =	sst s9;
	s0 =	simm.s32 @!p0 $0x0  }
0x12: {  	s1 =	sld [smem:$0x3F99];
	s0 =	simm.s32 @p0 $0x1  }
0x13: {  	[smem:$0x3FB4] =	sst s0;
	s0 =	simm.s32 @!p1 $0x0  }
0x14: {  	s2 =	sld [smem:$0x3F98];
	s0 =	simm.s32 @p1 $0x1  }
0x15: {  	[smem:$0x3FB5] =	sst s0;
	s0 =	simm.s32 @!p2 $0x0  }
0x16: {  	s3 =	sld [smem:$0x3FDB];
	s0 =	simm.s32 @p2 $0x1  }
0x17: {  	s4 =	simm.s32 $0x1BF5;
	[smem:$0x3FB7] =	sst s0  }
0x18: {  	s0 =	sld [smem:$0x3F9A];
	_ =	swait.ge [sflag:s4], $0x0  }
0x19: {  	s7 =	sld [smem:$0x3F9B]  }
0x1a: {  	s8 =	sadd.s32 $0xFFFFE003, lr  }
0x1b: {  	s9 =	sadd.s32 $0xFFFFFEF7, lr;
	s5 =	simm.s32 $0xFFFFFFFF;
	p2 =	slt.u32 s8, $0xFFFFF086  }
0x1c: {  	p1 =	slt.u32 s9, $0xF7A;
	s5 =	simm.s32 @!p2 $0x0  }
0x1d: {  	s5 =	simm.s32 @p1 $0x1;
	p0 =	seq.s32 s7, s2  }
0x1e: {  	s7 =	smul.u32 @!p0 $0xF7A, s2;
	p2 =	seq.s32 @!p0 s5, $0x0  }
0x1f: {  	s9 =	smul.u32 $0xF7A, s1;
	s8 =	simm.s32 @!p0 $0x1BF5;
	p2 =	por !p2, p0  }
0x20: {  	[sflag:s8] =	ssyncset.s32 @!p0 $0xFFFFF086;
	s6 =	sadd.s32 @!p0 s3, s7;
	s7 =	simm.s32 @!p0 $0x108  }
0x21: {  	s3 =	sadd.s32 s3, s9;
	s6 =	sadd.s32 @!p0 $0x88, s6;
	s7 =	simm.s32 @p2 $0x1082  }
0x22: {  	[simem:s7], [sflag:s8] =	dma.local @!p0 [hbm:s6], $0xF7A  }
0x23: {  	s9 =	sor.u32 $0xD0000000, s2;
	s6 =	simm.s32 $0x108;
	_ =	swait.ge @!p0 [sflag:s8], $0x0  }
0x24: {  	s3 =	sadd.s32 $0x88, s3;
	s6 =	simm.s32 @!p1 $0x1082;
	[sflag:s4] =	ssyncset.s32 $0xFFFFF086  }
0x25: {  	[simem:s6], [sflag:s4] =	dma.local [hbm:s3], $0xF7A  }
0x26: {  	[smem:$0x3F9B] =	sst s1;
	(tag) =	ssettag s2;
	_ =	strace s9  }
0x27: {  	s1 =	sld [smem:$0x3FAB]  }
0x28: {  	s2 =	sld [smem:$0x3FAC]  }
0x29: {  	s4 =	sld [smem:$0x3FAE]  }
0x2a: {  	p0 =	seq.s32 s5, $0x0;
	s5 =	sld [smem:$0x3FAF]  }
0x2b: {  	s6 =	sld [smem:$0x3FB0]  }
0x2c: {  	s7 =	sld [smem:$0x3FB1]  }
0x2d: {  	s3 =	simm.s32 $0x108;
	s8 =	sld [smem:$0x3FB2]  }
0x2e: {  	s3 =	simm.s32 @!p0 $0x1082;
	s9 =	sld [smem:$0x3FB3]  }
0x2f: {  	lr =	sadd.s32 s0, s3;
	s0 =	sld [smem:$0x3FAA]  }
0x30: {  	s3 =	sld [smem:$0x3FAD]  }
0x31: {  	[smem:$0x3FB6] =	sst s10  }
0x32: {  	s10 =	sld [smem:$0x3FB4];
	_ =	sdelay $0x3  }
0x33: {  	p0 =	seq.s32 s10, $0x1;
	s10 =	sld [smem:$0x3FB6];
	_ =	sdelay $0x3  }
0x34: {  	[smem:$0x3FB6] =	sst s10  }
0x35: {  	s10 =	sld [smem:$0x3FB5];
	_ =	sdelay $0x3  }
0x36: {  	p1 =	seq.s32 s10, $0x1;
	s10 =	sld [smem:$0x3FB6];
	_ =	sdelay $0x3  }
0x37: {  	[smem:$0x3FB6] =	sst s10  }
0x38: {  	s10 =	sld [smem:$0x3FB7]  }
0x39: {  	_ = 	snop;
	(pc) =	sbr.ind lr, $3  }
0x3a: {  	_ = 	snop  }
0x3b: {  	_ = 	snop  }
0x3c: {  	p2 =	seq.s32 s10, $0x1;
	s10 =	sld [smem:$0x3FB6]  }
0x3d: {  	_ =	shalt  }
0x3e: {  	_ =	shalt  }
0x3f: {  	_ =	shalt  }
0x40: {  	_ =	shalt  }
0x41: {  	_ =	shalt  }
0x42: {  	_ =	shalt  }
0x43: {  	_ =	shalt  }
0x44: {  	_ =	shalt  }
0x45: {  	_ =	shalt  }
0x46: {  	_ =	shalt  }
0x47: {  	_ =	shalt  }
0x48: {  	_ =	shalt  }
0x49: {  	_ =	shalt  }
0x4a: {  	_ =	shalt  }
0x4b: {  	_ =	shalt  }
0x4c: {  	_ =	shalt  }
0x4d: {  	_ =	shalt  }
0x4e: {  	_ =	shalt  }
0x4f: {  	_ =	shalt  }
0x50: {  	_ =	shalt  }
0x51: {  	_ =	shalt  }
0x52: {  	_ =	shalt  }
0x53: {  	_ =	shalt  }
0x54: {  	_ =	shalt  }
0x55: {  	_ =	shalt  }
0x56: {  	_ =	shalt  }
0x57: {  	_ =	shalt  }
0x58: {  	_ =	shalt  }
0x59: {  	_ =	shalt  }
0x5a: {  	_ =	shalt  }
0x5b: {  	_ =	shalt  }
0x5c: {  	_ =	shalt  }
0x5d: {  	_ =	shalt  }
0x5e: {  	_ =	shalt  }
0x5f: {  	_ =	shalt  }
0x60: {  	_ =	shalt  }
0x61: {  	_ =	shalt  }
0x62: {  	_ =	shalt  }
0x63: {  	_ =	shalt  }
0x64: {  	_ =	shalt  }
0x65: {  	_ =	shalt  }
0x66: {  	_ =	shalt  }
0x67: {  	_ =	shalt  }
0x68: {  	_ =	shalt  }
0x69: {  	_ =	shalt  }
0x6a: {  	_ =	shalt  }
0x6b: {  	_ =	shalt  }
0x6c: {  	_ =	shalt  }
0x6d: {  	_ =	shalt  }
0x6e: {  	_ =	shalt  }
0x6f: {  	_ =	shalt  }
0x70: {  	_ =	shalt  }
0x71: {  	_ =	shalt  }
0x72: {  	_ =	shalt  }
0x73: {  	_ =	shalt  }
0x74: {  	_ =	shalt  }
0x75: {  	_ =	shalt  }
0x76: {  	_ =	shalt  }
0x77: {  	_ =	shalt  }
0x78: {  	_ =	shalt  }
0x79: {  	_ =	shalt  }
0x7a: {  	_ =	shalt  }
0x7b: {  	_ =	shalt  }
0x7c: {  	_ =	shalt  }
0x7d: {  	_ =	shalt  }
0x7e: {  	_ =	shalt  }
0x7f: {  	_ =	shalt  }
0x80: {  	_ =	shalt  }
0x81: {  	_ =	shalt  }
0x82: {  	_ =	shalt  }
0x83: {  	_ =	shalt  }
0x84: {  	_ =	shalt  }
0x85: {  	_ =	shalt  }
0x86: {  	_ =	shalt  }
0x87: {  	_ =	shalt  }
.Lfunc_end0:
.L_simem_size_0:
called_computation_lowered:
.L_overlay_start_0:
0x88: {  	s2 =	sld [smem:$0x3FD9]  }
0x89: {  	s3 =	sld [smem:$0x3FFE];
	_ =	sdelay $0x1  }
0x8a: {  	s1 =	srdreg.scid  }
0x8b: {  	s0 =	sand.u32 $0x1, s1  }
0x8c: {  	s17 =	sshll.u32 s0, $0xA;
	s2 =	sadd.s32 s3, s2  }
0x8d: {  	s2 =	sadd.s32 s2, s17  }
0x8e: {  	[smem:$0x3FC2] =	sst s2  }
0x8f: {  	_ = 	snop  }
0x90: {  	s2 =	sld [smem:$0x3FC9]  }
0x91: {  	s18 =	sld [smem:$0x3FD0];
	(tm) =	ssettm $0x1  }
0x92: {  	s4 =	sld [smem:$0x3FFB];
	_ =	sdelay $0x3  }
0x93: {  	_ =	strace s4  }
0x94: {  	s4 =	sld [smem:$0x3FFC];
	_ =	sdelay $0x3  }
0x95: {  	_ =	strace s4  }
0x96: {  	s4 =	sld [smem:$0x3FFD];
	_ =	sdelay $0x3  }
0x97: {  	_ =	strace s4  }
0x98: {  	_ =	strace $0x8FFFFFFF  }
0x99: {  	s19 =	sld [smem:$0x3FDB];
	_ =	sdelay $0x1  }
0x9a: {  	s5 =	simm.s32 $_scs_section_size  }
0x9b: {  	s6 =	simm.s32 $_size__tile_overlayer_lowered;
	s7 =	simm.s32 $_tile_overlayer_lowered  }
0x9c: {  	s22 =	simm.s32 $0x1BFF;
	s21 =	sshll.u32 s7, $0x1;
	s4 =	sadd.s32 s5, s19  }
0x9d: {  	s8 =	simm.s32 $0x0;
	s20 =	sshll.u32 s6, $0x1;
	s6 =	sadd.s32 s21, s4  }
0x9e: {  	[timem:s8], [sflag:s22] =	dma.local [hbm:s6], s20  }
0x9f: {  	_ =	swait.ge [sflag:s22], s20  }
0xa0: {  	s5 =	ssub.s32 $0x0, s20;
	[sflag:s22] =	ssyncset.done $0x0  }
0xa1: {  	[sflag:s22] =	ssyncadd.s32 s5;
	_ =	sdelay $0x1  }
0xa2: {  	s23 =	simm.s32 $0x1B8B  }
0xa3: {  	_ =	swait.ge [sflag:s23], $0x1  }
0xa4: {  	[sflag:s23] =	ssyncset.done $0x0  }
0xa5: {  	s25 =	simm.s32 $0x1B8E;
	s24 =	sld [smem:$0x3FFE];
	[sflag:s23] =	ssyncadd.s32 $0xFFFFFFFF  }
0xa6: {  	s26 =	simm.s32 $execute0_lowered;
	[smem:$0x3FD2] =	sst s25  }
0xa7: {  	s6 =	sshll.u32 s26, $0x1;
	_ =	strace $0x80000046;
	[dreg:$0x1] =	wrdreg $0xFFFFFFFF  }
0xa8: {  	s28 =	simm.s32 $_size_execute0_lowered;
	s4 =	sadd.s32 s4, s6;
	[dreg:$0x0] =	wrdreg $0x0  }
0xa9: {  	s6 =	sshll.u32 s28, $0x1;
	[dreg:$0x2] =	wrdreg s4  }
0xaa: {  	[dreg:$0x3] =	wrdreg s6  }
0xab: {  	[dreg:$0x4] =	wrdreg $0xC0  }
0xac: {  	_ =	task [dreg:s8], $0x5FFFF  }
0xad: {  	[dreg:$0x1] =	wrdreg $0xFFFFFFFF  }
0xae: {  	[dreg:$0x0] =	wrdreg $0x60  }
0xaf: {  	[dreg:$0x2] =	wrdreg s2  }
0xb0: {  	[dreg:$0x3] =	wrdreg s24  }
0xb1: {  	[dreg:$0x4] =	wrdreg s18  }
0xb2: {  	[dreg:$0x5] =	wrdreg $0x9  }
0xb3: {  	_ =	task.clear_ibuf [dreg:s8], $0x6FFFF;
	_ =	strace $0x90000046  }
0xb4: {  	s29 =	simm.s32 $0x9;
	_ =	strace $0x80000048  }
0xb5: {  	_ =	swait.ge [sflag:s29], $0x1  }
0xb6: {  	[sflag:s29] =	ssyncadd.s32 $0xFFFFFFFF  }
0xb7: {  	_ =	strace $0x90000048  }
0xb8: {  	_ =	sfence  }
0xb9: {  	s30 =	sld [smem:$0x0];
	_ =	sdelay $0x2  }
0xba: {  	s31 =	sshll.u32 s1, $0xD;
	s1 =	sshrl.u32 s1, $0x2  }
0xbb: {  	s3 =	sand.u32 $0x4000, s31;
	s1 =	sadd.s32 s1, s30  }
0xbc: {  	s0 =	sor.u32 s3, s0;
	s1 =	sshll.u32 s1, $0x11  }
0xbd: {  	s0 =	sor.u32 s1, s0  }
0xbe: {  	s0 =	sadd.s32 $0x8F2B, s0  }
0xbf: {  	[sflag:s0] =	ssyncadd.remote.s32 $0x1  }
0xc0: {  	_ =	sfence.sel $0xFFFF  }
0xc1: {  	[dreg:$0x0] =	wrdreg $0xFFFFFFFF;
	(pc) =	sbr.abs _section_cstart, $3  }
0xc2: {  	[dreg:$0x1] =	wrdreg $0xFFFFFFFF  }
0xc3: {  	_ =	task.clear_ibuf [dreg:s8], $0x2FFFF;
	_ =	strace $0x9FFFFFFF  }
0xc4: {  	(tm) =	ssettm $0x7FFFFFFF  }
0xc5: {  	_ =	shalt  }
tec
execute0_lowered:
.L_overlay_start_1:
0x0: {  	(tag) =	ssettag $0x1  }
0x1: {  	s0 =	rddreg [dreg:$0x0]  }
0x2: {  	s4 =	rddreg [dreg:$0x1];
	s3 =	srdreg.scid  }
0x3: {  	s2 =	rddreg [dreg:$0x2];
	s5 =	sand.u32 $0x1, s3;
	s3 =	simm.s32 $0x0  }
0x4: {  	s11 =	simm.s32 $0x80;
	[smem:$0x7FF] =	sst s3  }
0x5: {  	s12 =	simm.s32 $0x900;
	_ =	strace $0x80000047;
	[dreg:$0x8] =	wrdreg s11  }
0x6: {  	s13 =	simm.s32 $0x1100;
	[dreg:$0x9] =	wrdreg s12  }
0x7: {  	s15 =	simm.s32 $0x1900;
	[dreg:$0xa] =	wrdreg s13  }
0x8: {  	s1 =	stileid.u32;
	s16 =	simm.s32 $0x2100;
	[dreg:$0xb] =	wrdreg s15  }
0x9: {  	s18 =	simm.s32 $0x2900;
	s19 =	simm.s32 $0x3100;
	[dreg:$0xc] =	wrdreg s16  }
0xa: {  	s20 =	simm.s32 $0x3900;
	s21 =	simm.s32 $0x4100;
	[dreg:$0xd] =	wrdreg s18  }
0xb: {  	s22 =	simm.s32 $0x4900;
	s23 =	simm.s32 $0x5100;
	[dreg:$0xe] =	wrdreg s19  }
0xc: {  	s24 =	simm.s32 $0x5900;
	s25 =	simm.s32 $0x6100;
	[dreg:$0xf] =	wrdreg s20  }
0xd: {  	s26 =	simm.s32 $0x6900;
	s28 =	simm.s32 $0xE900;
	[dreg:$0x10] =	wrdreg s21  }
0xe: {  	s29 =	simm.s32 $0xF100;
	s30 =	simm.s32 $0xF900;
	[dreg:$0x11] =	wrdreg s22  }
0xf: {  	s31 =	simm.s32 $0x3;
	s6 =	sshll.u32 s1, $0x7;
	[dreg:$0x12] =	wrdreg s23  }
0x10: {  	s4 =	sadd.s32 $0xE00, s4;
	s7 =	sshll.u32 s5, $0x6;
	[dreg:$0x13] =	wrdreg s24  }
0x11: {  	s14 =	ssub.s32 $0x2, s5;
	s6 =	sor.u32 s7, s6;
	[dreg:$0x14] =	wrdreg s25  }
0x12: {  	s5 =	sshrl.u32 s14, $0x1;
	s11 =	simm.s32 $0x1;
	[dreg:$0x15] =	wrdreg s26  }
0x13: {  	s13 =	simm.s32 $0x7900;
	s15 =	simm.s32 $0x8900;
	s16 =	simm.s32 $0x9100  }
0x14: {  	s18 =	simm.s32 $0xA100;
	s19 =	simm.s32 $0xA900;
	s20 =	simm.s32 $0xB100  }
0x15: {  	s21 =	simm.s32 $0xB900;
	s22 =	simm.s32 $0xC100;
	s23 =	simm.s32 $0xC900  }
0x16: {  	s24 =	simm.s32 $0xD100;
	s25 =	simm.s32 $0xD900;
	s26 =	simm.s32 $0xE100  }
0x17: {  	s7 =	sshrl.u32 s6, $0x3;
	s8 =	sor.u32 $0x20, s6;
	s6 =	sshll.u32 s6, $0x7  }
0x18: {  	s17 =	ssub.s32 s14, s5;
	s5 =	sadd.s32 $0x200, s2;
	s14 =	simm.s32 $0x2  }
0x19: {  	s7 =	sadd.s32 s4, s7;
	s9 =	sshrl.u32 s8, $0x3;
	s10 =	sshll.u32 s8, $0x7  }
0x1a: {  	s8 =	simm.s32 $0x5;
	[dreg:$0x4] =	wrdreg s7;
	s4 =	sadd.s32 s4, s9  }
0x1b: {  	s9 =	sadd.s32 s0, s6;
	s0 =	sadd.s32 s0, s10;
	[dreg:$0x5] =	wrdreg s4  }
0x1c: {  	v2 =	vlaneseq.u32;
	s6 =	sadd.s32 $0x300, s2;
	s7 =	smax.u32 s17, $0x1;
	[dreg:$0x6] =	wrdreg s9  }
0x1d: {  	vm0 =	vmmov $0xffff;
	v1 =	vshrl.u32 v2, $0x3;
	s10 =	simm.s32 $0x8100;
	s17 =	simm.s32 $0x9900;
	[dreg:$0x7] =	wrdreg s0  }
0x1e: {  	v0 =	vand.u32 $0x7, v2;
	v2 =	vor.u32 $0x8, v2;
	v1 =	vmul.u32 $0x8, v1;
	s4 =	sadd.s32 $0x100, s2;
	s9 =	simm.s32 $0x100;
	s0 =	simm.s32 $0x4  }
.LBB2_1:
0x1f: {  	s1 =	rddreg [dreg:$0x4]  }
0x20: {  	[tilespmem:s3], [sflag:$0x5] =	stream.linear.gather [hbm4b:s1+s3], $0x20, $0x38;
	[tilespmem:$0x10100] =	vst v63  }
0x21: {  	_ =	swait.ge [sflag:s8], $0x20  }
0x22: {  	s1 =	rddreg [dreg:$0x5];
	[sflag:s8] =	ssyncset.done $0x0  }
0x23: {  	s12 =	rddreg [dreg:$0x8];
	[sflag:s8] =	ssyncadd.s32 $0xFFFFFFE0  }
0x24: {  	[tilespmem:s12], [sflag:$0x5] =	stream.linear.gather [hbm4b:s1+s3], $0x20, $0x38;
	[tilespmem:$0x10100] =	vst v63  }
0x25: {  	_ =	swait.ge [sflag:s8], $0x20  }
0x26: {  	[sflag:s8] =	ssyncset.done $0x0  }
0x27: {  	s1 =	rddreg [dreg:$0x6];
	[sflag:s8] =	ssyncadd.s32 $0xFFFFFFE0  }
0x28: {  	[tilespmem:s9], [sflag:$0x1] =	stream.linear.gather [hbm4b:s1+s3], $0x8000, $0x38;
	[tilespmem:$0x10100] =	vst v63  }
0x29: {  	s12 =	rddreg [dreg:$0x7]  }
0x2a: {  	[tilespmem:s10], [sflag:$0x2] =	stream.linear.gather [hbm4b:s12+s3], $0x8000, $0x38;
	[tilespmem:$0x10100] =	vst v63  }
0x2b: {  	_ =	swait.ge [sflag:s11], $0x8000  }
0x2c: {  	[sflag:s11] =	ssyncset.done $0x0  }
0x2d: {  	[sflag:s11] =	ssyncadd.s32 $0xFFFF8000  }
0x2e: {  	v3 =	vld [tilespmem:$0x0];
	_ =	sdelay $0x4  }
0x2f: {  	v4 =	vshll.u32 v3, $0x3  }
0x30: {  	v3 =	vand.u32 $0x7, v3;
	v4 =	vand.u32 $0xFFFFFFC0, v4  }
0x31: {  	v3 =	vor.u32 v3, v4  }
0x32: {  	v4 =	vperm.xlane v3, v0;
	_ =	sdelay $0x1  }
0x33: {  	v4 =	vadd.s32 v1, v4;
	_ =	sdelay $0x4  }
0x34: {  	[hbm4b:s2+s3] =	stream.indirect_vreg.scatter [tilespmem:s9], [sflag:$0x3], $0x80, v4, vm0, $0xb8;
	[tilespmem:$0x10100] =	vst v63  }
0x35: {  	s1 =	rddreg [dreg:$0x9];
	v3 =	vperm.xlane v3, v2  }
0x36: {  	[hbm4b:s4+s3] =	stream.indirect_vreg.scatter [tilespmem:s1], [sflag:$0x3], $0x80, v4, vm0, $0xb8;
	[tilespmem:$0x10100] =	vst v63  }
0x37: {  	s12 =	rddreg [dreg:$0xa];
	v3 =	vadd.s32 v1, v3  }
0x38: {  	[hbm4b:s5+s3] =	stream.indirect_vreg.scatter [tilespmem:s12], [sflag:$0x3], $0x80, v4, vm0, $0xb8;
	[tilespmem:$0x10100] =	vst v63  }
0x39: {  	s1 =	rddreg [dreg:$0xb]  }
0x3a: {  	[hbm4b:s6+s3] =	stream.indirect_vreg.scatter [tilespmem:s1], [sflag:$0x3], $0x80, v4, vm0, $0xb8;
	[tilespmem:$0x10100] =	vst v63  }
0x3b: {  	s12 =	rddreg [dreg:$0xc]  }
0x3c: {  	[hbm4b:s2+s3] =	stream.indirect_vreg.scatter [tilespmem:s12], [sflag:$0x3], $0x80, v3, vm0, $0xb8;
	[tilespmem:$0x10100] =	vst v63  }
0x3d: {  	s1 =	rddreg [dreg:$0xd]  }
0x3e: {  	[hbm4b:s4+s3] =	stream.indirect_vreg.scatter [tilespmem:s1], [sflag:$0x3], $0x80, v3, vm0, $0xb8;
	[tilespmem:$0x10100] =	vst v63  }
0x3f: {  	s12 =	rddreg [dreg:$0xe]  }
0x40: {  	[hbm4b:s5+s3] =	stream.indirect_vreg.scatter [tilespmem:s12], [sflag:$0x3], $0x80, v3, vm0, $0xb8;
	[tilespmem:$0x10100] =	vst v63  }
0x41: {  	s1 =	rddreg [dreg:$0xf]  }
0x42: {  	[hbm4b:s6+s3] =	stream.indirect_vreg.scatter [tilespmem:s1], [sflag:$0x3], $0x80, v3, vm0, $0xb8;
	[tilespmem:$0x10100] =	vst v63  }
0x43: {  	v3 =	vld [tilespmem:$0x10];
	_ =	sdelay $0x4  }
0x44: {  	v61 =	vshll.u32 v3, $0x3  }
0x45: {  	v3 =	vand.u32 $0x7, v3;
	v4 =	vand.u32 $0xFFFFFFC0, v61  }
0x46: {  	v3 =	vor.u32 v3, v4  }
0x47: {  	v4 =	vperm.xlane v3, v0;
	_ =	sdelay $0x1  }
0x48: {  	v4 =	vadd.s32 v1, v4;
	_ =	sdelay $0x3  }
0x49: {  	s1 =	rddreg [dreg:$0x10]  }
0x4a: {  	[hbm4b:s2+s3] =	stream.indirect_vreg.scatter [tilespmem:s1], [sflag:$0x3], $0x80, v4, vm0, $0xb8;
	[tilespmem:$0x10100] =	vst v63  }
0x4b: {  	s12 =	rddreg [dreg:$0x11];
	v3 =	vperm.xlane v3, v2  }
0x4c: {  	[hbm4b:s4+s3] =	stream.indirect_vreg.scatter [tilespmem:s12], [sflag:$0x3], $0x80, v4, vm0, $0xb8;
	[tilespmem:$0x10100] =	vst v63  }
0x4d: {  	v3 =	vadd.s32 v1, v3;
	s1 =	rddreg [dreg:$0x12]  }
0x4e: {  	[hbm4b:s5+s3] =	stream.indirect_vreg.scatter [tilespmem:s1], [sflag:$0x3], $0x80, v4, vm0, $0xb8;
	[tilespmem:$0x10100] =	vst v63  }
0x4f: {  	s12 =	rddreg [dreg:$0x13]  }
0x50: {  	[hbm4b:s6+s3] =	stream.indirect_vreg.scatter [tilespmem:s12], [sflag:$0x3], $0x80, v4, vm0, $0xb8;
	[tilespmem:$0x10100] =	vst v63  }
0x51: {  	s1 =	rddreg [dreg:$0x14]  }
0x52: {  	[hbm4b:s2+s3] =	stream.indirect_vreg.scatter [tilespmem:s1], [sflag:$0x3], $0x80, v3, vm0, $0xb8;
	[tilespmem:$0x10100] =	vst v63  }
0x53: {  	s12 =	rddreg [dreg:$0x15]  }
0x54: {  	[hbm4b:s4+s3] =	stream.indirect_vreg.scatter [tilespmem:s12], [sflag:$0x3], $0x80, v3, vm0, $0xb8;
	[tilespmem:$0x10100] =	vst v63  }
0x55: {  	s12 =	simm.s32 $0x7100  }
0x56: {  	[hbm4b:s5+s3] =	stream.indirect_vreg.scatter [tilespmem:s12], [sflag:$0x3], $0x80, v3, vm0, $0xb8;
	[tilespmem:$0x10100] =	vst v63  }
0x57: {  	_ = 	snop  }
0x58: {  	[hbm4b:s6+s3] =	stream.indirect_vreg.scatter [tilespmem:s13], [sflag:$0x3], $0x80, v3, vm0, $0xb8;
	[tilespmem:$0x10100] =	vst v63  }
0x59: {  	_ =	swait.ge [sflag:s14], $0x8000  }
0x5a: {  	[sflag:s14] =	ssyncset.done $0x0  }
0x5b: {  	[sflag:s14] =	ssyncadd.s32 $0xFFFF8000  }
0x5c: {  	v3 =	vld [tilespmem:$0x80];
	_ =	sdelay $0x4  }
0x5d: {  	v62 =	vshll.u32 v3, $0x3  }
0x5e: {  	v3 =	vand.u32 $0x7, v3;
	v4 =	vand.u32 $0xFFFFFFC0, v62  }
0x5f: {  	v3 =	vor.u32 v3, v4  }
0x60: {  	v4 =	vperm.xlane v3, v0;
	_ =	sdelay $0x1  }
0x61: {  	v4 =	vadd.s32 v1, v4;
	_ =	sdelay $0x4  }
0x62: {  	[hbm4b:s2+s3] =	stream.indirect_vreg.scatter [tilespmem:s10], [sflag:$0x4], $0x80, v4, vm0, $0xb8;
	[tilespmem:$0x10100] =	vst v63  }
0x63: {  	v3 =	vperm.xlane v3, v2  }
0x64: {  	[hbm4b:s4+s3] =	stream.indirect_vreg.scatter [tilespmem:s15], [sflag:$0x4], $0x80, v4, vm0, $0xb8;
	[tilespmem:$0x10100] =	vst v63  }
0x65: {  	v3 =	vadd.s32 v1, v3  }
0x66: {  	[hbm4b:s5+s3] =	stream.indirect_vreg.scatter [tilespmem:s16], [sflag:$0x4], $0x80, v4, vm0, $0xb8;
	[tilespmem:$0x10100] =	vst v63  }
0x67: {  	_ = 	snop  }
0x68: {  	[hbm4b:s6+s3] =	stream.indirect_vreg.scatter [tilespmem:s17], [sflag:$0x4], $0x80, v4, vm0, $0xb8;
	[tilespmem:$0x10100] =	vst v63  }
0x69: {  	_ = 	snop  }
0x6a: {  	[hbm4b:s2+s3] =	stream.indirect_vreg.scatter [tilespmem:s18], [sflag:$0x4], $0x80, v3, vm0, $0xb8;
	[tilespmem:$0x10100] =	vst v63  }
0x6b: {  	_ = 	snop  }
0x6c: {  	[hbm4b:s4+s3] =	stream.indirect_vreg.scatter [tilespmem:s19], [sflag:$0x4], $0x80, v3, vm0, $0xb8;
	[tilespmem:$0x10100] =	vst v63  }
0x6d: {  	_ = 	snop  }
0x6e: {  	[hbm4b:s5+s3] =	stream.indirect_vreg.scatter [tilespmem:s20], [sflag:$0x4], $0x80, v3, vm0, $0xb8;
	[tilespmem:$0x10100] =	vst v63  }
0x6f: {  	_ = 	snop  }
0x70: {  	[hbm4b:s6+s3] =	stream.indirect_vreg.scatter [tilespmem:s21], [sflag:$0x4], $0x80, v3, vm0, $0xb8;
	[tilespmem:$0x10100] =	vst v63  }
0x71: {  	v3 =	vld [tilespmem:$0x90];
	_ =	sdelay $0x4  }
0x72: {  	v63 =	vshll.u32 v3, $0x3  }
0x73: {  	v3 =	vand.u32 $0x7, v3;
	v4 =	vand.u32 $0xFFFFFFC0, v63  }
0x74: {  	v3 =	vor.u32 v3, v4  }
0x75: {  	v4 =	vperm.xlane v3, v0;
	_ =	sdelay $0x1  }
0x76: {  	v4 =	vadd.s32 v1, v4;
	_ =	sdelay $0x4  }
0x77: {  	[hbm4b:s2+s3] =	stream.indirect_vreg.scatter [tilespmem:s22], [sflag:$0x4], $0x80, v4, vm0, $0xb8;
	[tilespmem:$0x10100] =	vst v63  }
0x78: {  	v3 =	vperm.xlane v3, v2  }
0x79: {  	[hbm4b:s4+s3] =	stream.indirect_vreg.scatter [tilespmem:s23], [sflag:$0x4], $0x80, v4, vm0, $0xb8;
	[tilespmem:$0x10100] =	vst v63  }
0x7a: {  	v3 =	vadd.s32 v1, v3  }
0x7b: {  	[hbm4b:s5+s3] =	stream.indirect_vreg.scatter [tilespmem:s24], [sflag:$0x4], $0x80, v4, vm0, $0xb8;
	[tilespmem:$0x10100] =	vst v63  }
0x7c: {  	_ = 	snop  }
0x7d: {  	[hbm4b:s6+s3] =	stream.indirect_vreg.scatter [tilespmem:s25], [sflag:$0x4], $0x80, v4, vm0, $0xb8;
	[tilespmem:$0x10100] =	vst v63  }
0x7e: {  	_ = 	snop  }
0x7f: {  	[hbm4b:s2+s3] =	stream.indirect_vreg.scatter [tilespmem:s26], [sflag:$0x4], $0x80, v3, vm0, $0xb8;
	[tilespmem:$0x10100] =	vst v63  }
0x80: {  	_ = 	snop  }
0x81: {  	[hbm4b:s4+s3] =	stream.indirect_vreg.scatter [tilespmem:s28], [sflag:$0x4], $0x80, v3, vm0, $0xb8;
	[tilespmem:$0x10100] =	vst v63  }
0x82: {  	_ = 	snop  }
0x83: {  	[hbm4b:s5+s3] =	stream.indirect_vreg.scatter [tilespmem:s29], [sflag:$0x4], $0x80, v3, vm0, $0xb8;
	[tilespmem:$0x10100] =	vst v63  }
0x84: {  	_ = 	snop  }
0x85: {  	[hbm4b:s6+s3] =	stream.indirect_vreg.scatter [tilespmem:s30], [sflag:$0x4], $0x80, v3, vm0, $0xb8;
	[tilespmem:$0x10100] =	vst v63  }
0x86: {  	p0 =	sne.s32 s7, $0x1;
	_ =	swait.ge [sflag:s31], $0x8000  }
.Ltmp0:
0x87: {  	[sflag:s31] =	ssyncset.done $0x0;
	(pc) =	sbr.rel @p0 .LBB2_1-.Ltmp0, $4  }
0x88: {  	[sflag:s31] =	ssyncadd.s32 $0xFFFF8000  }
0x89: {  	_ =	swait.ge [sflag:s0], $0x8000  }
0x8a: {  	[sflag:s0] =	ssyncset.done $0x0  }
0x8b: {  	s7 =	sadd.s32 $0xFFFFFFFF, s7;
	[sflag:s0] =	ssyncadd.s32 $0xFFFF8000  }
0x8c: {  	_ =	sfence.sel $0x180000  }
0x8d: {  	[bflag:$0x0] =	sbarrier.arrive $0xFFFF  }
0x8e: {  	_ =	strace $0x90000047  }
0x8f: {  	s0 =	stileid.u32;
	[bflag:$0x2] =	sbarrier.arrive $0xFFFF  }
0x90: {  	p0 =	sne.s32 s0, $0x0;
	s0 =	rddreg [dreg:$0x3]  }
0x91: {  	s0 =	sadd.s32 @!p0 $0x100000, s0  }
0x92: {  	[sflag:s0] =	ssyncadd.tile.s32 @!p0 $0x1;
	_ =	shalt  }
.Lfunc_end2:
_tile_overlayer_lowered:
.L_overlay_start_2:
0x93: {  	(tag) =	ssettag $0x2  }
0x94: {  	s0 =	rddreg [dreg:$0x0];
	s2 =	stileid.u32  }
0x95: {  	s1 =	rddreg [dreg:$0x1];
	p0 =	sne.s32 s2, $0x0  }
0x96: {  	s3 =	rddreg [dreg:$0x2];
	[bflag:$0x3] =	sbarrier.arrive $0xFFFF;
	s2 =	simm.s32 @!p0 $0x1C05  }
0x97: {  	[timem:s3], [sflag:s2] =	dma.local @!p0 [hbm:s0], s1  }
0x98: {  	s0 =	simm.s32 @!p0 $0x5  }
0x99: {  	_ =	swait.ge @!p0 [sflag:s0], s1  }
0x9a: {  	s1 =	ssub.s32 @!p0 $0x0, s1;
	[sflag:s0] =	ssyncset.done @!p0 $0x0  }
0x9b: {  	[sflag:s0] =	ssyncadd.s32 @!p0 s1  }
0x9c: {  	[bflag:$0x3] =	sbarrier.arrive $0xFFFF  }
0x9d: {  	_ =	shalt  }

// kernel: kernel.9.cloned.1.call-start
scs
__scs_entry_jumppad:
0x0: {  	(pc) =	sbr.rel $0x88, $3  }
0x1: {  	(tag) =	ssettag $0x0;
	lr =	simm.s32 $0x1  }
0x2: {  	[smem:$0x3F9B] =	sst lr;
	_ =	strace $0xD0000000  }
0x3: {  	_ = 	snop  }
0x4: {  	_ = 	snop  }
0x5: {  	_ = 	snop  }
0x6: {  	_ = 	snop  }
0x7: {  	_ = 	snop  }
__scs_overlays_trampoline_lowered:
0x8: {  	[smem:$0x3FAA] =	sst s0  }
0x9: {  	[smem:$0x3FAB] =	sst s1  }
0xa: {  	[smem:$0x3FAC] =	sst s2  }
0xb: {  	[smem:$0x3FAD] =	sst s3  }
0xc: {  	[smem:$0x3FAE] =	sst s4  }
0xd: {  	[smem:$0x3FAF] =	sst s5  }
0xe: {  	[smem:$0x3FB0] =	sst s6  }
0xf: {  	[smem:$0x3FB1] =	sst s7  }
0x10: {  	[smem:$0x3FB2] =	sst s8  }
0x11: {  	[smem:$0x3FB3] =	sst s9;
	s0 =	simm.s32 @!p0 $0x0  }
0x12: {  	s1 =	sld [smem:$0x3F99];
	s0 =	simm.s32 @p0 $0x1  }
0x13: {  	[smem:$0x3FB4] =	sst s0;
	s0 =	simm.s32 @!p1 $0x0  }
0x14: {  	s2 =	sld [smem:$0x3F98];
	s0 =	simm.s32 @p1 $0x1  }
0x15: {  	[smem:$0x3FB5] =	sst s0;
	s0 =	simm.s32 @!p2 $0x0  }
0x16: {  	s3 =	sld [smem:$0x3FDB];
	s0 =	simm.s32 @p2 $0x1  }
0x17: {  	s4 =	simm.s32 $0x1BF5;
	[smem:$0x3FB7] =	sst s0  }
0x18: {  	s0 =	sld [smem:$0x3F9A];
	_ =	swait.ge [sflag:s4], $0x0  }
0x19: {  	s7 =	sld [smem:$0x3F9B]  }
0x1a: {  	s8 =	sadd.s32 $0xFFFFE003, lr  }
0x1b: {  	s9 =	sadd.s32 $0xFFFFFEF7, lr;
	s5 =	simm.s32 $0xFFFFFFFF;
	p2 =	slt.u32 s8, $0xFFFFF086  }
0x1c: {  	p1 =	slt.u32 s9, $0xF7A;
	s5 =	simm.s32 @!p2 $0x0  }
0x1d: {  	s5 =	simm.s32 @p1 $0x1;
	p0 =	seq.s32 s7, s2  }
0x1e: {  	s7 =	smul.u32 @!p0 $0xF7A, s2;
	p2 =	seq.s32 @!p0 s5, $0x0  }
0x1f: {  	s9 =	smul.u32 $0xF7A, s1;
	s8 =	simm.s32 @!p0 $0x1BF5;
	p2 =	por !p2, p0  }
0x20: {  	[sflag:s8] =	ssyncset.s32 @!p0 $0xFFFFF086;
	s6 =	sadd.s32 @!p0 s3, s7;
	s7 =	simm.s32 @!p0 $0x108  }
0x21: {  	s3 =	sadd.s32 s3, s9;
	s6 =	sadd.s32 @!p0 $0x88, s6;
	s7 =	simm.s32 @p2 $0x1082  }
0x22: {  	[simem:s7], [sflag:s8] =	dma.local @!p0 [hbm:s6], $0xF7A  }
0x23: {  	s9 =	sor.u32 $0xD0000000, s2;
	s6 =	simm.s32 $0x108;
	_ =	swait.ge @!p0 [sflag:s8], $0x0  }
0x24: {  	s3 =	sadd.s32 $0x88, s3;
	s6 =	simm.s32 @!p1 $0x1082;
	[sflag:s4] =	ssyncset.s32 $0xFFFFF086  }
0x25: {  	[simem:s6], [sflag:s4] =	dma.local [hbm:s3], $0xF7A  }
0x26: {  	[smem:$0x3F9B] =	sst s1;
	(tag) =	ssettag s2;
	_ =	strace s9  }
0x27: {  	s1 =	sld [smem:$0x3FAB]  }
0x28: {  	s2 =	sld [smem:$0x3FAC]  }
0x29: {  	s4 =	sld [smem:$0x3FAE]  }
0x2a: {  	p0 =	seq.s32 s5, $0x0;
	s5 =	sld [smem:$0x3FAF]  }
0x2b: {  	s6 =	sld [smem:$0x3FB0]  }
0x2c: {  	s7 =	sld [smem:$0x3FB1]  }
0x2d: {  	s3 =	simm.s32 $0x108;
	s8 =	sld [smem:$0x3FB2]  }
0x2e: {  	s3 =	simm.s32 @!p0 $0x1082;
	s9 =	sld [smem:$0x3FB3]  }
0x2f: {  	lr =	sadd.s32 s0, s3;
	s0 =	sld [smem:$0x3FAA]  }
0x30: {  	s3 =	sld [smem:$0x3FAD]  }
0x31: {  	[smem:$0x3FB6] =	sst s10  }
0x32: {  	s10 =	sld [smem:$0x3FB4];
	_ =	sdelay $0x3  }
0x33: {  	p0 =	seq.s32 s10, $0x1;
	s10 =	sld [smem:$0x3FB6];
	_ =	sdelay $0x3  }
0x34: {  	[smem:$0x3FB6] =	sst s10  }
0x35: {  	s10 =	sld [smem:$0x3FB5];
	_ =	sdelay $0x3  }
0x36: {  	p1 =	seq.s32 s10, $0x1;
	s10 =	sld [smem:$0x3FB6];
	_ =	sdelay $0x3  }
0x37: {  	[smem:$0x3FB6] =	sst s10  }
0x38: {  	s10 =	sld [smem:$0x3FB7]  }
0x39: {  	_ = 	snop;
	(pc) =	sbr.ind lr, $3  }
0x3a: {  	_ = 	snop  }
0x3b: {  	_ = 	snop  }
0x3c: {  	p2 =	seq.s32 s10, $0x1;
	s10 =	sld [smem:$0x3FB6]  }
0x3d: {  	_ =	shalt  }
0x3e: {  	_ =	shalt  }
0x3f: {  	_ =	shalt  }
0x40: {  	_ =	shalt  }
0x41: {  	_ =	shalt  }
0x42: {  	_ =	shalt  }
0x43: {  	_ =	shalt  }
0x44: {  	_ =	shalt  }
0x45: {  	_ =	shalt  }
0x46: {  	_ =	shalt  }
0x47: {  	_ =	shalt  }
0x48: {  	_ =	shalt  }
0x49: {  	_ =	shalt  }
0x4a: {  	_ =	shalt  }
0x4b: {  	_ =	shalt  }
0x4c: {  	_ =	shalt  }
0x4d: {  	_ =	shalt  }
0x4e: {  	_ =	shalt  }
0x4f: {  	_ =	shalt  }
0x50: {  	_ =	shalt  }
0x51: {  	_ =	shalt  }
0x52: {  	_ =	shalt  }
0x53: {  	_ =	shalt  }
0x54: {  	_ =	shalt  }
0x55: {  	_ =	shalt  }
0x56: {  	_ =	shalt  }
0x57: {  	_ =	shalt  }
0x58: {  	_ =	shalt  }
0x59: {  	_ =	shalt  }
0x5a: {  	_ =	shalt  }
0x5b: {  	_ =	shalt  }
0x5c: {  	_ =	shalt  }
0x5d: {  	_ =	shalt  }
0x5e: {  	_ =	shalt  }
0x5f: {  	_ =	shalt  }
0x60: {  	_ =	shalt  }
0x61: {  	_ =	shalt  }
0x62: {  	_ =	shalt  }
0x63: {  	_ =	shalt  }
0x64: {  	_ =	shalt  }
0x65: {  	_ =	shalt  }
0x66: {  	_ =	shalt  }
0x67: {  	_ =	shalt  }
0x68: {  	_ =	shalt  }
0x69: {  	_ =	shalt  }
0x6a: {  	_ =	shalt  }
0x6b: {  	_ =	shalt  }
0x6c: {  	_ =	shalt  }
0x6d: {  	_ =	shalt  }
0x6e: {  	_ =	shalt  }
0x6f: {  	_ =	shalt  }
0x70: {  	_ =	shalt  }
0x71: {  	_ =	shalt  }
0x72: {  	_ =	shalt  }
0x73: {  	_ =	shalt  }
0x74: {  	_ =	shalt  }
0x75: {  	_ =	shalt  }
0x76: {  	_ =	shalt  }
0x77: {  	_ =	shalt  }
0x78: {  	_ =	shalt  }
0x79: {  	_ =	shalt  }
0x7a: {  	_ =	shalt  }
0x7b: {  	_ =	shalt  }
0x7c: {  	_ =	shalt  }
0x7d: {  	_ =	shalt  }
0x7e: {  	_ =	shalt  }
0x7f: {  	_ =	shalt  }
0x80: {  	_ =	shalt  }
0x81: {  	_ =	shalt  }
0x82: {  	_ =	shalt  }
0x83: {  	_ =	shalt  }
0x84: {  	_ =	shalt  }
0x85: {  	_ =	shalt  }
0x86: {  	_ =	shalt  }
0x87: {  	_ =	shalt  }
.Lfunc_end0:
.L_simem_size_0:
called_computation.1_lowered:
.L_overlay_start_0:
0x88: {  	s2 =	sld [smem:$0x3FD9]  }
0x89: {  	s3 =	sld [smem:$0x3FFE];
	_ =	sdelay $0x1  }
0x8a: {  	s1 =	srdreg.scid  }
0x8b: {  	s0 =	sand.u32 $0x1, s1  }
0x8c: {  	s17 =	sshll.u32 s0, $0xA;
	s2 =	sadd.s32 s3, s2  }
0x8d: {  	s2 =	sadd.s32 s2, s17  }
0x8e: {  	[smem:$0x3FC2] =	sst s2  }
0x8f: {  	_ = 	snop  }
0x90: {  	s2 =	sld [smem:$0x3FD0];
	(tm) =	ssettm $0x1  }
0x91: {  	s18 =	sld [smem:$0x3FFB];
	_ =	sdelay $0x3  }
0x92: {  	_ =	strace s18  }
0x93: {  	s3 =	sld [smem:$0x3FFC];
	_ =	sdelay $0x3  }
0x94: {  	_ =	strace s3  }
0x95: {  	s3 =	sld [smem:$0x3FFD];
	_ =	sdelay $0x3  }
0x96: {  	_ =	strace s3  }
0x97: {  	_ =	strace $0x8FFFFFFF  }
0x98: {  	s19 =	sld [smem:$0x3FDB];
	_ =	sdelay $0x1  }
0x99: {  	s4 =	simm.s32 $_scs_section_size  }
0x9a: {  	s5 =	simm.s32 $_size__tile_overlayer_lowered;
	s6 =	simm.s32 $_tile_overlayer_lowered  }
0x9b: {  	s22 =	simm.s32 $0x1BFF;
	s21 =	sshll.u32 s6, $0x1;
	s3 =	sadd.s32 s4, s19  }
0x9c: {  	s7 =	simm.s32 $0x0;
	s20 =	sshll.u32 s5, $0x1;
	s5 =	sadd.s32 s21, s3  }
0x9d: {  	[timem:s7], [sflag:s22] =	dma.local [hbm:s5], s20  }
0x9e: {  	_ =	swait.ge [sflag:s22], s20  }
0x9f: {  	s4 =	ssub.s32 $0x0, s20;
	[sflag:s22] =	ssyncset.done $0x0  }
0xa0: {  	[sflag:s22] =	ssyncadd.s32 s4;
	_ =	sdelay $0x1  }
0xa1: {  	s23 =	simm.s32 $0x1B8B  }
0xa2: {  	_ =	swait.ge [sflag:s23], $0x1  }
0xa3: {  	[sflag:s23] =	ssyncset.done $0x0  }
0xa4: {  	s25 =	simm.s32 $0x1B8E;
	s24 =	sld [smem:$0x3FFE];
	[sflag:s23] =	ssyncadd.s32 $0xFFFFFFFF  }
0xa5: {  	s26 =	simm.s32 $execute0_lowered;
	[smem:$0x3FD2] =	sst s25  }
0xa6: {  	s5 =	sshll.u32 s26, $0x1;
	_ =	strace $0x80000049;
	[dreg:$0x1] =	wrdreg $0xFFFFFFFF  }
0xa7: {  	s28 =	simm.s32 $_size_execute0_lowered;
	s3 =	sadd.s32 s3, s5;
	[dreg:$0x0] =	wrdreg $0x0  }
0xa8: {  	s5 =	sshll.u32 s28, $0x1;
	[dreg:$0x2] =	wrdreg s3  }
0xa9: {  	[dreg:$0x3] =	wrdreg s5  }
0xaa: {  	[dreg:$0x4] =	wrdreg $0xC0  }
0xab: {  	_ =	task [dreg:s7], $0x5FFFF  }
0xac: {  	[dreg:$0x1] =	wrdreg $0xFFFFFFFF  }
0xad: {  	[dreg:$0x0] =	wrdreg $0x60  }
0xae: {  	[dreg:$0x2] =	wrdreg s24  }
0xaf: {  	[dreg:$0x3] =	wrdreg s2  }
0xb0: {  	[dreg:$0x4] =	wrdreg $0x9  }
0xb1: {  	_ =	task.clear_ibuf [dreg:s7], $0x5FFFF;
	_ =	strace $0x90000049  }
0xb2: {  	s29 =	simm.s32 $0x9;
	_ =	strace $0x8000004B  }
0xb3: {  	_ =	swait.ge [sflag:s29], $0x1  }
0xb4: {  	[sflag:s29] =	ssyncadd.s32 $0xFFFFFFFF  }
0xb5: {  	_ =	strace $0x9000004B  }
0xb6: {  	_ =	sfence  }
0xb7: {  	s30 =	sld [smem:$0x0];
	_ =	sdelay $0x2  }
0xb8: {  	s31 =	sshll.u32 s1, $0xD;
	s1 =	sshrl.u32 s1, $0x2  }
0xb9: {  	s3 =	sand.u32 $0x4000, s31;
	s1 =	sadd.s32 s1, s30  }
0xba: {  	s0 =	sor.u32 s3, s0;
	s1 =	sshll.u32 s1, $0x11  }
0xbb: {  	s0 =	sor.u32 s1, s0  }
0xbc: {  	s0 =	sadd.s32 $0x8F2B, s0  }
0xbd: {  	[sflag:s0] =	ssyncadd.remote.s32 $0x1  }
0xbe: {  	_ =	sfence.sel $0xFFFF  }
0xbf: {  	[dreg:$0x0] =	wrdreg $0xFFFFFFFF;
	(pc) =	sbr.abs _section_cstart, $3  }
0xc0: {  	[dreg:$0x1] =	wrdreg $0xFFFFFFFF  }
0xc1: {  	_ =	task.clear_ibuf [dreg:s7], $0x2FFFF;
	_ =	strace $0x9FFFFFFF  }
0xc2: {  	(tm) =	ssettm $0x7FFFFFFF  }
0xc3: {  	_ =	shalt  }
tec
execute0_lowered:
.L_overlay_start_1:
0x0: {  	(tag) =	ssettag $0x1  }
0x1: {  	s1 =	srdreg.scid  }
0x2: {  	s0 =	stileid.u32;
	s7 =	rddreg [dreg:$0x0]  }
0x3: {  	s4 =	rddreg [dreg:$0x1];
	s16 =	simm.s32 $0x880;
	s17 =	simm.s32 $0x1080  }
0x4: {  	s18 =	simm.s32 $0x1880;
	s19 =	simm.s32 $0x2080;
	s1 =	sand.u32 $0x1, s1  }
0x5: {  	s20 =	simm.s32 $0x2880;
	s2 =	sshll.u32 s0, $0x7;
	s3 =	sshll.u32 s1, $0x6  }
0x6: {  	s21 =	simm.s32 $0x3080;
	s3 =	sor.u32 s3, s2;
	s2 =	simm.s32 $0x0  }
0x7: {  	s22 =	simm.s32 $0x3880;
	s23 =	simm.s32 $0x4080;
	[smem:$0x7FF] =	sst s2  }
0x8: {  	s24 =	simm.s32 $0x4880;
	_ =	strace $0x8000004A;
	[dreg:$0x5] =	wrdreg s16  }
0x9: {  	s8 =	simm.s32 $0x5080;
	s25 =	simm.s32 $0x5880;
	[dreg:$0x6] =	wrdreg s17  }
0xa: {  	s9 =	simm.s32 $0x6080;
	s26 =	simm.s32 $0x6880;
	[dreg:$0x7] =	wrdreg s18  }
0xb: {  	s10 =	simm.s32 $0x80;
	s12 =	simm.s32 $0x7880;
	[dreg:$0x8] =	wrdreg s19  }
0xc: {  	s13 =	simm.s32 $0x8080;
	s14 =	simm.s32 $0x8880;
	[dreg:$0x9] =	wrdreg s20  }
0xd: {  	s15 =	simm.s32 $0x9080;
	s28 =	simm.s32 $0xF080;
	[dreg:$0xa] =	wrdreg s21  }
0xe: {  	s29 =	simm.s32 $0xF880;
	s30 =	simm.s32 $0x1;
	[dreg:$0xb] =	wrdreg s22  }
0xf: {  	s31 =	simm.s32 $0x2;
	s1 =	ssub.s32 $0x2, s1;
	[dreg:$0xc] =	wrdreg s23  }
0x10: {  	s6 =	sshrl.u32 s1, $0x1;
	s5 =	sshrl.u32 s3, $0x3;
	[dreg:$0xd] =	wrdreg s24  }
0x11: {  	s3 =	sshll.u32 s3, $0x7;
	s1 =	ssub.s32 s1, s6;
	[dreg:$0xe] =	wrdreg s8  }
0x12: {  	s6 =	sadd.s32 $0x23A00, s7;
	s5 =	sadd.s32 s5, s7;
	[dreg:$0xf] =	wrdreg s25  }
0x13: {  	s3 =	sadd.s32 s4, s3;
	s8 =	smax.u32 s1, $0x1;
	[dreg:$0x10] =	wrdreg s9  }
0x14: {  	s9 =	simm.s32 $0x4;
	[dreg:$0x11] =	wrdreg s26;
	s16 =	simm.s32 $0x9880  }
0x15: {  	s17 =	simm.s32 $0xA080;
	s18 =	simm.s32 $0xA880;
	s19 =	simm.s32 $0xB080  }
0x16: {  	s20 =	simm.s32 $0xB880;
	s21 =	simm.s32 $0xC080;
	s22 =	simm.s32 $0xC880  }
0x17: {  	s23 =	simm.s32 $0xD080;
	s24 =	simm.s32 $0xD880;
	s5 =	sadd.s32 $0xE00, s5  }
0x18: {  	v2 =	vlaneseq.u32;
	s25 =	simm.s32 $0xE080;
	s4 =	sadd.s32 $0x1000, s3;
	[dreg:$0x3] =	wrdreg s5  }
0x19: {  	vm0 =	vmmov $0xffff;
	v1 =	vshrl.u32 v2, $0x3;
	s26 =	simm.s32 $0xE880;
	s1 =	simm.s32 $0x3;
	[dreg:$0x4] =	wrdreg s4  }
0x1a: {  	v0 =	vand.u32 $0x7, v2;
	v2 =	vor.u32 $0x8, v2;
	v1 =	vmul.u32 $0x8, v1;
	s4 =	sadd.s32 $0x23800, s7;
	s5 =	sadd.s32 $0x23900, s7;
	s7 =	sadd.s32 $0x23B00, s7  }
.LBB2_1:
0x1b: {  	s0 =	rddreg [dreg:$0x3]  }
0x1c: {  	[tilespmem:s2], [sflag:$0x4] =	stream.linear.gather [hbm4b:s0+s2], $0x40, $0x38;
	[tilespmem:$0x10080] =	vst v63  }
0x1d: {  	_ =	swait.ge [sflag:s9], $0x40  }
0x1e: {  	[sflag:s9] =	ssyncset.done $0x0  }
0x1f: {  	[sflag:s9] =	ssyncadd.s32 $0xFFFFFFC0  }
0x20: {  	v3 =	vld [tilespmem:$0x0];
	_ =	sdelay $0x4  }
0x21: {  	v4 =	vshll.u32 v3, $0x3  }
0x22: {  	v3 =	vand.u32 $0x7, v3;
	v4 =	vand.u32 $0xFFFFFFC0, v4  }
0x23: {  	v3 =	vor.u32 v3, v4  }
0x24: {  	v4 =	vperm.xlane v3, v0;
	_ =	sdelay $0x1  }
0x25: {  	v4 =	vadd.s32 v1, v4;
	_ =	sdelay $0x4  }
0x26: {  	[tilespmem:s10], [sflag:$0x1] =	stream.indirect_vreg.gather [hbm4b:s4+s2], $0x80, v4, vm0, $0xb8;
	[tilespmem:$0x10080] =	vst v63  }
0x27: {  	s0 =	rddreg [dreg:$0x5];
	v3 =	vperm.xlane v3, v2  }
0x28: {  	[tilespmem:s0], [sflag:$0x1] =	stream.indirect_vreg.gather [hbm4b:s5+s2], $0x80, v4, vm0, $0xb8;
	[tilespmem:$0x10080] =	vst v63  }
0x29: {  	s11 =	rddreg [dreg:$0x6];
	v3 =	vadd.s32 v1, v3  }
0x2a: {  	[tilespmem:s11], [sflag:$0x1] =	stream.indirect_vreg.gather [hbm4b:s6+s2], $0x80, v4, vm0, $0xb8;
	[tilespmem:$0x10080] =	vst v63  }
0x2b: {  	s0 =	rddreg [dreg:$0x7]  }
0x2c: {  	[tilespmem:s0], [sflag:$0x1] =	stream.indirect_vreg.gather [hbm4b:s7+s2], $0x80, v4, vm0, $0xb8;
	[tilespmem:$0x10080] =	vst v63  }
0x2d: {  	s11 =	rddreg [dreg:$0x8]  }
0x2e: {  	[tilespmem:s11], [sflag:$0x1] =	stream.indirect_vreg.gather [hbm4b:s4+s2], $0x80, v3, vm0, $0xb8;
	[tilespmem:$0x10080] =	vst v63  }
0x2f: {  	s0 =	rddreg [dreg:$0x9]  }
0x30: {  	[tilespmem:s0], [sflag:$0x1] =	stream.indirect_vreg.gather [hbm4b:s5+s2], $0x80, v3, vm0, $0xb8;
	[tilespmem:$0x10080] =	vst v63  }
0x31: {  	s11 =	rddreg [dreg:$0xa]  }
0x32: {  	[tilespmem:s11], [sflag:$0x1] =	stream.indirect_vreg.gather [hbm4b:s6+s2], $0x80, v3, vm0, $0xb8;
	[tilespmem:$0x10080] =	vst v63  }
0x33: {  	s0 =	rddreg [dreg:$0xb]  }
0x34: {  	[tilespmem:s0], [sflag:$0x1] =	stream.indirect_vreg.gather [hbm4b:s7+s2], $0x80, v3, vm0, $0xb8;
	[tilespmem:$0x10080] =	vst v63  }
0x35: {  	v3 =	vld [tilespmem:$0x10];
	_ =	sdelay $0x4  }
0x36: {  	v61 =	vshll.u32 v3, $0x3  }
0x37: {  	v3 =	vand.u32 $0x7, v3;
	v4 =	vand.u32 $0xFFFFFFC0, v61  }
0x38: {  	v3 =	vor.u32 v3, v4  }
0x39: {  	v4 =	vperm.xlane v3, v0;
	_ =	sdelay $0x1  }
0x3a: {  	v4 =	vadd.s32 v1, v4;
	_ =	sdelay $0x3  }
0x3b: {  	s0 =	rddreg [dreg:$0xc]  }
0x3c: {  	[tilespmem:s0], [sflag:$0x1] =	stream.indirect_vreg.gather [hbm4b:s4+s2], $0x80, v4, vm0, $0xb8;
	[tilespmem:$0x10080] =	vst v63  }
0x3d: {  	s11 =	rddreg [dreg:$0xd];
	v3 =	vperm.xlane v3, v2  }
0x3e: {  	[tilespmem:s11], [sflag:$0x1] =	stream.indirect_vreg.gather [hbm4b:s5+s2], $0x80, v4, vm0, $0xb8;
	[tilespmem:$0x10080] =	vst v63  }
0x3f: {  	v3 =	vadd.s32 v1, v3;
	s0 =	rddreg [dreg:$0xe]  }
0x40: {  	[tilespmem:s0], [sflag:$0x1] =	stream.indirect_vreg.gather [hbm4b:s6+s2], $0x80, v4, vm0, $0xb8;
	[tilespmem:$0x10080] =	vst v63  }
0x41: {  	s11 =	rddreg [dreg:$0xf]  }
0x42: {  	[tilespmem:s11], [sflag:$0x1] =	stream.indirect_vreg.gather [hbm4b:s7+s2], $0x80, v4, vm0, $0xb8;
	[tilespmem:$0x10080] =	vst v63  }
0x43: {  	s0 =	rddreg [dreg:$0x10]  }
0x44: {  	[tilespmem:s0], [sflag:$0x1] =	stream.indirect_vreg.gather [hbm4b:s4+s2], $0x80, v3, vm0, $0xb8;
	[tilespmem:$0x10080] =	vst v63  }
0x45: {  	s11 =	rddreg [dreg:$0x11]  }
0x46: {  	[tilespmem:s11], [sflag:$0x1] =	stream.indirect_vreg.gather [hbm4b:s5+s2], $0x80, v3, vm0, $0xb8;
	[tilespmem:$0x10080] =	vst v63  }
0x47: {  	s11 =	simm.s32 $0x7080  }
0x48: {  	[tilespmem:s11], [sflag:$0x1] =	stream.indirect_vreg.gather [hbm4b:s6+s2], $0x80, v3, vm0, $0xb8;
	[tilespmem:$0x10080] =	vst v63  }
0x49: {  	_ = 	snop  }
0x4a: {  	[tilespmem:s12], [sflag:$0x1] =	stream.indirect_vreg.gather [hbm4b:s7+s2], $0x80, v3, vm0, $0xb8;
	[tilespmem:$0x10080] =	vst v63  }
0x4b: {  	v3 =	vld [tilespmem:$0x20];
	_ =	sdelay $0x4  }
0x4c: {  	v62 =	vshll.u32 v3, $0x3  }
0x4d: {  	v3 =	vand.u32 $0x7, v3;
	v4 =	vand.u32 $0xFFFFFFC0, v62  }
0x4e: {  	v3 =	vor.u32 v3, v4  }
0x4f: {  	v4 =	vperm.xlane v3, v0;
	_ =	sdelay $0x1  }
0x50: {  	v4 =	vadd.s32 v1, v4;
	_ =	sdelay $0x4  }
0x51: {  	[tilespmem:s13], [sflag:$0x2] =	stream.indirect_vreg.gather [hbm4b:s4+s2], $0x80, v4, vm0, $0xb8;
	[tilespmem:$0x10080] =	vst v63  }
0x52: {  	v3 =	vperm.xlane v3, v2  }
0x53: {  	[tilespmem:s14], [sflag:$0x2] =	stream.indirect_vreg.gather [hbm4b:s5+s2], $0x80, v4, vm0, $0xb8;
	[tilespmem:$0x10080] =	vst v63  }
0x54: {  	v3 =	vadd.s32 v1, v3  }
0x55: {  	[tilespmem:s15], [sflag:$0x2] =	stream.indirect_vreg.gather [hbm4b:s6+s2], $0x80, v4, vm0, $0xb8;
	[tilespmem:$0x10080] =	vst v63  }
0x56: {  	_ = 	snop  }
0x57: {  	[tilespmem:s16], [sflag:$0x2] =	stream.indirect_vreg.gather [hbm4b:s7+s2], $0x80, v4, vm0, $0xb8;
	[tilespmem:$0x10080] =	vst v63  }
0x58: {  	_ = 	snop  }
0x59: {  	[tilespmem:s17], [sflag:$0x2] =	stream.indirect_vreg.gather [hbm4b:s4+s2], $0x80, v3, vm0, $0xb8;
	[tilespmem:$0x10080] =	vst v63  }
0x5a: {  	_ = 	snop  }
0x5b: {  	[tilespmem:s18], [sflag:$0x2] =	stream.indirect_vreg.gather [hbm4b:s5+s2], $0x80, v3, vm0, $0xb8;
	[tilespmem:$0x10080] =	vst v63  }
0x5c: {  	_ = 	snop  }
0x5d: {  	[tilespmem:s19], [sflag:$0x2] =	stream.indirect_vreg.gather [hbm4b:s6+s2], $0x80, v3, vm0, $0xb8;
	[tilespmem:$0x10080] =	vst v63  }
0x5e: {  	_ = 	snop  }
0x5f: {  	[tilespmem:s20], [sflag:$0x2] =	stream.indirect_vreg.gather [hbm4b:s7+s2], $0x80, v3, vm0, $0xb8;
	[tilespmem:$0x10080] =	vst v63  }
0x60: {  	v3 =	vld [tilespmem:$0x30];
	_ =	sdelay $0x4  }
0x61: {  	v63 =	vshll.u32 v3, $0x3  }
0x62: {  	v3 =	vand.u32 $0x7, v3;
	v4 =	vand.u32 $0xFFFFFFC0, v63  }
0x63: {  	v3 =	vor.u32 v3, v4  }
0x64: {  	v4 =	vperm.xlane v3, v0;
	_ =	sdelay $0x1  }
0x65: {  	v4 =	vadd.s32 v1, v4;
	_ =	sdelay $0x4  }
0x66: {  	[tilespmem:s21], [sflag:$0x2] =	stream.indirect_vreg.gather [hbm4b:s4+s2], $0x80, v4, vm0, $0xb8;
	[tilespmem:$0x10080] =	vst v63  }
0x67: {  	v3 =	vperm.xlane v3, v2  }
0x68: {  	[tilespmem:s22], [sflag:$0x2] =	stream.indirect_vreg.gather [hbm4b:s5+s2], $0x80, v4, vm0, $0xb8;
	[tilespmem:$0x10080] =	vst v63  }
0x69: {  	v3 =	vadd.s32 v1, v3  }
0x6a: {  	[tilespmem:s23], [sflag:$0x2] =	stream.indirect_vreg.gather [hbm4b:s6+s2], $0x80, v4, vm0, $0xb8;
	[tilespmem:$0x10080] =	vst v63  }
0x6b: {  	_ = 	snop  }
0x6c: {  	[tilespmem:s24], [sflag:$0x2] =	stream.indirect_vreg.gather [hbm4b:s7+s2], $0x80, v4, vm0, $0xb8;
	[tilespmem:$0x10080] =	vst v63  }
0x6d: {  	_ = 	snop  }
0x6e: {  	[tilespmem:s25], [sflag:$0x2] =	stream.indirect_vreg.gather [hbm4b:s4+s2], $0x80, v3, vm0, $0xb8;
	[tilespmem:$0x10080] =	vst v63  }
0x6f: {  	_ = 	snop  }
0x70: {  	[tilespmem:s26], [sflag:$0x2] =	stream.indirect_vreg.gather [hbm4b:s5+s2], $0x80, v3, vm0, $0xb8;
	[tilespmem:$0x10080] =	vst v63  }
0x71: {  	_ = 	snop  }
0x72: {  	[tilespmem:s28], [sflag:$0x2] =	stream.indirect_vreg.gather [hbm4b:s6+s2], $0x80, v3, vm0, $0xb8;
	[tilespmem:$0x10080] =	vst v63  }
0x73: {  	_ = 	snop  }
0x74: {  	[tilespmem:s29], [sflag:$0x2] =	stream.indirect_vreg.gather [hbm4b:s7+s2], $0x80, v3, vm0, $0xb8;
	[tilespmem:$0x10080] =	vst v63  }
0x75: {  	_ =	swait.ge [sflag:s30], $0x8000  }
0x76: {  	[sflag:s30] =	ssyncset.done $0x0  }
0x77: {  	[sflag:s30] =	ssyncadd.s32 $0xFFFF8000  }
0x78: {  	[hbm4b:s3+s2] =	stream.linear.scatter [tilespmem:s10], [sflag:$0x3], $0x8000, $0x38;
	[tilespmem:$0x10080] =	vst v63  }
0x79: {  	_ =	swait.ge [sflag:s31], $0x8000  }
0x7a: {  	[sflag:s31] =	ssyncset.done $0x0  }
0x7b: {  	s11 =	rddreg [dreg:$0x4];
	[sflag:s31] =	ssyncadd.s32 $0xFFFF8000  }
0x7c: {  	[hbm4b:s11+s2] =	stream.linear.scatter [tilespmem:s13], [sflag:$0x3], $0x8000, $0x38;
	[tilespmem:$0x10080] =	vst v63  }
0x7d: {  	p0 =	sne.s32 s8, $0x1;
	_ =	swait.ge [sflag:s1], $0x8000  }
.Ltmp0:
0x7e: {  	[sflag:s1] =	ssyncset.done $0x0;
	(pc) =	sbr.rel @p0 .LBB2_1-.Ltmp0, $4  }
0x7f: {  	[sflag:s1] =	ssyncadd.s32 $0xFFFF8000  }
0x80: {  	_ =	swait.ge [sflag:s1], $0x8000  }
0x81: {  	[sflag:s1] =	ssyncset.done $0x0  }
0x82: {  	s8 =	sadd.s32 $0xFFFFFFFF, s8;
	[sflag:s1] =	ssyncadd.s32 $0xFFFF8000  }
0x83: {  	_ =	sfence.sel $0x180000  }
0x84: {  	[bflag:$0x0] =	sbarrier.arrive $0xFFFF  }
0x85: {  	_ =	strace $0x9000004A  }
0x86: {  	s0 =	stileid.u32;
	[bflag:$0x2] =	sbarrier.arrive $0xFFFF  }
0x87: {  	p0 =	sne.s32 s0, $0x0;
	s0 =	rddreg [dreg:$0x2]  }
0x88: {  	s0 =	sadd.s32 @!p0 $0x100000, s0  }
0x89: {  	[sflag:s0] =	ssyncadd.tile.s32 @!p0 $0x1;
	_ =	shalt  }
.Lfunc_end2:
_tile_overlayer_lowered:
.L_overlay_start_2:
0x8a: {  	(tag) =	ssettag $0x2  }
0x8b: {  	s0 =	rddreg [dreg:$0x0];
	s2 =	stileid.u32  }
0x8c: {  	s1 =	rddreg [dreg:$0x1];
	p0 =	sne.s32 s2, $0x0  }
0x8d: {  	s3 =	rddreg [dreg:$0x2];
	[bflag:$0x3] =	sbarrier.arrive $0xFFFF;
	s2 =	simm.s32 @!p0 $0x1C04  }
0x8e: {  	[timem:s3], [sflag:s2] =	dma.local @!p0 [hbm:s0], s1  }
0x8f: {  	s0 =	simm.s32 @!p0 $0x4  }
0x90: {  	_ =	swait.ge @!p0 [sflag:s0], s1  }
0x91: {  	s1 =	ssub.s32 @!p0 $0x0, s1;
	[sflag:s0] =	ssyncset.done @!p0 $0x0  }
0x92: {  	[sflag:s0] =	ssyncadd.s32 @!p0 s1  }
0x93: {  	[bflag:$0x3] =	sbarrier.arrive $0xFFFF  }
0x94: {  	_ =	shalt  }

</sc_bundles>
